<compile_context>
chip_gen: v7x
topology: tpu7x:2x2x1
jax: 0.10.2.dev20260603
libtpu: 0.0.44.dev20260713+nightly
codegen_flags: <defaults>
</compile_context>

<pallas_src>
import functools

import jax
import jax.numpy as jnp
from jax import lax
from jax.experimental import pallas as pl
from jax.experimental.pallas import tpu as pltpu
from jax.experimental.pallas import tpu_sc as plsc

N_NODES = 10000
N_EDGES = 320000
D_FEAT = 128
D_EDGE = 16
HID_PAD = 16
N_GRAPHS = 64

NC, NS = 2, 16
NW = NC * NS
SUPER = 512
N_SUPER = N_EDGES // SUPER
Q_MAX = (N_SUPER + NW - 1) // NW
N_PAD = 10240
ROWS_PER_TILE = N_PAD // NS


_N8 = N_NODES // 8


def _proj_body(x_ref, ws_ref, wd_ref, a_ref, b_ref):
    x = x_ref[...].reshape(_N8, 8 * D_FEAT)
    a_ref[...] = jnp.dot(x, ws_ref[...], preferred_element_type=jnp.float32)
    b_ref[...] = jnp.dot(x, wd_ref[...], preferred_element_type=jnp.float32)


def _node_proj(node_attr, ws_big, wd_big):
    return pl.pallas_call(
        _proj_body,
        grid=(1,),
        in_specs=[
            pl.BlockSpec((N_NODES, D_FEAT), lambda i: (0, 0)),
            pl.BlockSpec((8 * D_FEAT, 128), lambda i: (0, 0)),
            pl.BlockSpec((8 * D_FEAT, 128), lambda i: (0, 0)),
        ],
        out_specs=[
            pl.BlockSpec((_N8, 128), lambda i: (0, 0)),
            pl.BlockSpec((_N8, 128), lambda i: (0, 0)),
        ],
        out_shape=[
            jax.ShapeDtypeStruct((_N8, 128), jnp.float32),
            jax.ShapeDtypeStruct((_N8, 128), jnp.float32),
        ],
    )(node_attr, ws_big, wd_big)



_E8 = N_EDGES // 8
_EBLK = 2000
_N_EBLK = _E8 // _EBLK


def _edge_pre_body(ea_ref, we_ref, bm_ref, e_ref):
    e_ref[...] = (
        jnp.dot(ea_ref[...], we_ref[...], preferred_element_type=jnp.float32)
        + bm_ref[...]
    )


def _edge_pre(ea8, we_big, bm_big):
    return pl.pallas_call(
        _edge_pre_body,
        grid=(_N_EBLK,),
        in_specs=[
            pl.BlockSpec((_EBLK, 8 * D_EDGE), lambda i: (i, 0)),
            pl.BlockSpec((8 * D_EDGE, 128), lambda i: (0, 0)),
            pl.BlockSpec((1, 128), lambda i: (0, 0)),
        ],
        out_specs=pl.BlockSpec((_EBLK, 128), lambda i: (i, 0)),
        out_shape=jax.ShapeDtypeStruct((_E8, 128), jnp.float32),
    )(ea8, we_big, bm_big)




def _sc_edge_body(a_hbm, b_hbm, e_hbm, src_hbm, dst_hbm, out_hbm,
                  sidx_v, didx_v, a_v, b_v, e_v, msg_v,
                  sem_i, sem_g, sem_e, sem_s, acc):
    cid = lax.axis_index("c")
    sid = lax.axis_index("s")
    wid = sid * NC + cid

    def _zrow(i, _):
        msg_v[i] = jnp.zeros((HID_PAD,), jnp.float32)
        return 0

    lax.fori_loop(0, SUPER, _zrow, 0)
    pltpu.sync_copy(msg_v, acc.at[pl.ds(sid * ROWS_PER_TILE, SUPER)])
    pltpu.sync_copy(
        msg_v.at[pl.ds(0, ROWS_PER_TILE - SUPER)],
        acc.at[pl.ds(sid * ROWS_PER_TILE + SUPER, ROWS_PER_TILE - SUPER)],
    )
    plsc.subcore_barrier()

    def _super(q, _):
        s = q * NW + wid

        @pl.when(s < N_SUPER)
        def _():
            base = s * SUPER
            icps = []
            for k in range(4):
                icps.append(pltpu.async_copy(
                    src_hbm.at[pl.ds(base + k * 128, 128)], sidx_v.at[k],
                    sem_i))
                icps.append(pltpu.async_copy(
                    dst_hbm.at[pl.ds(base + k * 128, 128)], didx_v.at[k],
                    sem_i))
            for cp in icps:
                cp.wait()
            gcps = []
            for k in range(4):
                gcps.append(pltpu.async_copy(
                    a_hbm.at[sidx_v.at[k]], a_v.at[pl.ds(k * 128, 128)],
                    sem_g))
                gcps.append(pltpu.async_copy(
                    b_hbm.at[didx_v.at[k]], b_v.at[pl.ds(k * 128, 128)],
                    sem_g))
            ecp = pltpu.async_copy(e_hbm.at[pl.ds(base, SUPER)], e_v, sem_e)
            for cp in gcps:
                cp.wait()
            ecp.wait()

            @plsc.parallel_loop(0, SUPER, unroll=8)
            def _row(i):
                msg_v[i] = jnp.maximum(a_v[i] + b_v[i] + e_v[i], 0.0)

            scps = []
            for k in range(4):
                scps.append(pltpu.async_copy(
                    msg_v.at[pl.ds(k * 128, 128)], acc.at[didx_v.at[k]],
                    sem_s, add=True))
            for cp in scps:
                cp.wait()

        return 0

    lax.fori_loop(0, Q_MAX, _super, 0)
    plsc.subcore_barrier()

    pltpu.sync_copy(
        acc.at[pl.ds(sid * ROWS_PER_TILE, ROWS_PER_TILE)],
        out_hbm.at[cid, pl.ds(sid * ROWS_PER_TILE, ROWS_PER_TILE)],
    )


def _sc_edge(a, b, e, src, dst):
    mesh = plsc.VectorSubcoreMesh(core_axis_name="c", subcore_axis_name="s")
    fn = pl.kernel(
        _sc_edge_body,
        out_type=jax.ShapeDtypeStruct((NC, N_PAD, HID_PAD), jnp.float32),
        mesh=mesh,
        scratch_types=[
            pltpu.VMEM((4, 128), jnp.int32),
            pltpu.VMEM((4, 128), jnp.int32),
            pltpu.VMEM((SUPER, HID_PAD), jnp.float32),
            pltpu.VMEM((SUPER, HID_PAD), jnp.float32),
            pltpu.VMEM((SUPER, HID_PAD), jnp.float32),
            pltpu.VMEM((SUPER, HID_PAD), jnp.float32),
            pltpu.SemaphoreType.DMA,
            pltpu.SemaphoreType.DMA,
            pltpu.SemaphoreType.DMA,
            pltpu.SemaphoreType.DMA,
            pltpu.VMEM_SHARED((N_PAD, HID_PAD), jnp.float32),
        ],
        compiler_params=pltpu.CompilerParams(use_tc_tiling_on_sc=False),
    )
    return fn(a, b, e, src, dst)



_PBLK = 128
_N8_PAD = N_PAD // 8
_N_PBLK = _N8_PAD // _PBLK


def _post_body(xp_ref, bt_ref, w1_ref, b1_ref, w2_ref, b2_ref, w3_ref,
               b3_ref, w4_ref, b4_ref, w5_ref, b5_ref, out_ref, g_acc):
    i = pl.program_id(0)
    h = xp_ref[0] + xp_ref[1]
    h = jnp.maximum(jnp.dot(h, w1_ref[...], preferred_element_type=jnp.float32)
                    + b1_ref[...], 0.0)
    h = jnp.maximum(jnp.dot(h, w2_ref[...], preferred_element_type=jnp.float32)
                    + b2_ref[...], 0.0)
    h = jnp.maximum(jnp.dot(h, w3_ref[...], preferred_element_type=jnp.float32)
                    + b3_ref[...], 0.0)
    part = jnp.zeros((N_GRAPHS, HID_PAD), jnp.float32)
    iota_g = lax.broadcasted_iota(jnp.int32, (_PBLK, N_GRAPHS), 1)
    for j in range(8):
        bcol = bt_ref[j, :]
        oh = (bcol[:, None] == iota_g).astype(jnp.float32)
        m = lax.dot_general(oh, h, (((0,), (0,)), ((), ())),
                            preferred_element_type=jnp.float32)
        part = part + m[:, 16 * j:16 * j + 16]

    @pl.when(i == 0)
    def _():
        g_acc[...] = part

    @pl.when(i > 0)
    def _():
        g_acc[...] = g_acc[...] + part

    @pl.when(i == _N_PBLK - 1)
    def _():
        g = jnp.maximum(
            jnp.dot(g_acc[...], w4_ref[...], preferred_element_type=jnp.float32)
            + b4_ref[...], 0.0)
        out_ref[...] = (
            jnp.dot(g, w5_ref[...], preferred_element_type=jnp.float32)
            + b5_ref[...])


def _post(xp8, batch_t, w1, b1, w2, b2, w3, b3, w4, b4, w5, b5):
    wbig = pl.BlockSpec((128, 128), lambda i: (0, 0))
    bbig = pl.BlockSpec((1, 128), lambda i: (0, 0))
    wsmall = pl.BlockSpec((HID_PAD, HID_PAD), lambda i: (0, 0))
    bsmall = pl.BlockSpec((1, HID_PAD), lambda i: (0, 0))
    return pl.pallas_call(
        _post_body,
        grid=(_N_PBLK,),
        in_specs=[
            pl.BlockSpec((NC, _PBLK, 128), lambda i: (0, i, 0)),
            pl.BlockSpec((8, _PBLK), lambda i: (0, i)),
            wbig, bbig, wbig, bbig, wbig, bbig, wsmall, bsmall,
            wsmall, bsmall,
        ],
        out_specs=pl.BlockSpec((N_GRAPHS, HID_PAD), lambda i: (0, 0)),
        out_shape=jax.ShapeDtypeStruct((N_GRAPHS, HID_PAD), jnp.float32),
        scratch_shapes=[pltpu.VMEM((N_GRAPHS, HID_PAD), jnp.float32)],
    )(xp8, batch_t, w1, b1, w2, b2, w3, b3, w4, b4, w5, b5)




def _pad_w(w, rows, cols):
    out = jnp.zeros((rows, cols), jnp.float32)
    return out.at[: w.shape[0], : w.shape[1]].set(w)


def _pad_b(b):
    out = jnp.zeros((1, HID_PAD), jnp.float32)
    return out.at[0, : b.shape[0]].set(b)


def kernel(node_attr, edge_index, edge_attr, batch,
           W_msg, b_msg, W1, b1, W2, b2, W3, b3, W4, b4, W5, b5):
    src = edge_index[0].astype(jnp.int32)
    dst = edge_index[1].astype(jnp.int32)

    eye8 = jnp.eye(8, dtype=jnp.float32)

    def big_w(w, rows):
        return jnp.kron(eye8, _pad_w(w, rows, HID_PAD))

    def big_b(b):
        return jnp.tile(_pad_b(b), (1, 8))

    a_pack, b_pack = _node_proj(node_attr, big_w(W_msg[:D_FEAT], D_FEAT),
                                big_w(W_msg[D_FEAT:2 * D_FEAT], D_FEAT))
    ea8 = edge_attr.reshape(_E8, 8 * D_EDGE)
    e_pack = _edge_pre(ea8, big_w(W_msg[2 * D_FEAT:], D_EDGE), big_b(b_msg))
    xp = _sc_edge(
        a_pack.reshape(N_NODES, HID_PAD),
        b_pack.reshape(N_NODES, HID_PAD),
        e_pack.reshape(N_EDGES, HID_PAD),
        src, dst,
    )

    batch_t = jnp.concatenate([
        batch.astype(jnp.int32),
        jnp.full((N_PAD - N_NODES,), N_GRAPHS, jnp.int32),
    ]).reshape(_N8_PAD, 8).T
    out16 = _post(
        xp.reshape(NC, _N8_PAD, 128), batch_t,
        big_w(W1, HID_PAD), big_b(b1),
        big_w(W2, HID_PAD), big_b(b2),
        big_w(W3, HID_PAD), big_b(b3),
        _pad_w(W4, HID_PAD, HID_PAD), _pad_b(b4),
        _pad_w(W5, HID_PAD, HID_PAD), _pad_b(b5),
    )
    return out16[:, :1]

# --- scband reference (transcript-rebuilt; emitter-appended) ---
"""Pipeline reference for scband-model11-64630667870280 (READ-ONLY COPY).

The authoritative reference and input builder live on the scoring server;
editing this copy changes nothing except your own understanding.
"""

import jax, jax.numpy as jnp
import numpy as np

N_NODES = 10000
N_EDGES = 320000
D_FEAT = 128
D_EDGE = 16
N_GRAPHS = 64
HID = 10


def setup_inputs(seed: int = 0) -> dict:
    key = jax.random.key(seed)
    ks = jax.random.split(key, 16)
    node_attr = jax.random.normal(ks[0], (N_NODES, D_FEAT), dtype=jnp.float32)
    edge_index = jax.random.randint(ks[1], (2, N_EDGES), 0, N_NODES, dtype=jnp.int64)
    edge_attr = jax.random.normal(ks[2], (N_EDGES, D_EDGE), dtype=jnp.float32)
    batch = jnp.sort(jax.random.randint(ks[3], (N_NODES,), 0, N_GRAPHS, dtype=jnp.int64))
    # MPL_1 message MLP: concat(x_src, x_dst, e) -> 10
    msg_in = 2 * D_FEAT + D_EDGE
    W_msg = jax.random.normal(ks[4], (msg_in, HID), dtype=jnp.float32) / np.sqrt(msg_in)
    b_msg = jnp.zeros((HID,), dtype=jnp.float32)
    W1 = jax.random.normal(ks[5], (HID, HID), dtype=jnp.float32) / np.sqrt(HID)
    b1 = jnp.zeros((HID,), dtype=jnp.float32)
    W2 = jax.random.normal(ks[6], (HID, HID), dtype=jnp.float32) / np.sqrt(HID)
    b2 = jnp.zeros((HID,), dtype=jnp.float32)
    W3 = jax.random.normal(ks[7], (HID, 5), dtype=jnp.float32) / np.sqrt(HID)
    b3 = jnp.zeros((5,), dtype=jnp.float32)
    W4 = jax.random.normal(ks[8], (5, 5), dtype=jnp.float32) / np.sqrt(5.0)
    b4 = jnp.zeros((5,), dtype=jnp.float32)
    W5 = jax.random.normal(ks[9], (5, 1), dtype=jnp.float32) / np.sqrt(5.0)
    b5 = jnp.zeros((1,), dtype=jnp.float32)
    return {
        'node_attr': node_attr, 'edge_index': edge_index, 'edge_attr': edge_attr,
        'batch': batch,
        'W_msg': W_msg, 'b_msg': b_msg,
        'W1': W1, 'b1': b1, 'W2': W2, 'b2': b2, 'W3': W3, 'b3': b3,
        'W4': W4, 'b4': b4, 'W5': W5, 'b5': b5,
    }


def reference(node_attr, edge_index, edge_attr, batch,
              W_msg, b_msg, W1, b1, W2, b2, W3, b3, W4, b4, W5, b5):
    src = edge_index[0]
    dst = edge_index[1]
    # MPL_1: per-edge message MLP + scatter-add to destination nodes
    x_src = jnp.take(node_attr, src, axis=0)
    x_dst = jnp.take(node_attr, dst, axis=0)
    m = jnp.concatenate([x_src, x_dst, edge_attr], axis=1)
    m = jax.nn.relu(m @ W_msg + b_msg)
    x = jax.ops.segment_sum(m, dst, num_segments=N_NODES)
    # node MLP stack
    x = jax.nn.relu(x @ W1 + b1)
    x = jax.nn.relu(x @ W2 + b2)
    x = jax.nn.relu(x @ W3 + b3)
    # segment_coo(x, batch, reduce='sum') -> per-graph pooling
    g = jax.ops.segment_sum(x, batch, num_segments=N_GRAPHS)
    g = jax.nn.relu(g @ W4 + b4)
    out = g @ W5 + b5
    return out

if __name__ == "__main__":
    import jax
    _d = setup_inputs()
    print(jax.jit(kernel)(*tuple(_d.values())))

</pallas_src>

<mosaic_0001>
#map = affine_map<(d0, d1) -> (0, 0)>
#map1 = affine_map<(d0, d1) -> (0)>
#map2 = affine_map<(d0, d1) -> (0, 0, 0)>
module attributes {stable_mosaic.version = 14 : i64} {
  func.func @_sc_edge_body(%arg0: i32, %arg1: i32, %arg2: memref<10000x16xf32, #tpu.memory_space<hbm>>, %arg3: memref<10000x16xf32, #tpu.memory_space<hbm>>, %arg4: memref<320000x16xf32, #tpu.memory_space<hbm>>, %arg5: memref<320000xi32, #tpu.memory_space<hbm>>, %arg6: memref<320000xi32, #tpu.memory_space<hbm>>, %arg7: memref<2x10240x16xf32, #tpu.memory_space<hbm>>, %arg8: memref<4x128xi32, #tpu.memory_space<vmem>>, %arg9: memref<4x128xi32, #tpu.memory_space<vmem>>, %arg10: memref<512x16xf32, #tpu.memory_space<vmem>>, %arg11: memref<512x16xf32, #tpu.memory_space<vmem>>, %arg12: memref<512x16xf32, #tpu.memory_space<vmem>>, %arg13: memref<512x16xf32, #tpu.memory_space<vmem>>, %arg14: memref<!tpu.dma_semaphore, #tpu.memory_space<semaphore_mem>>, %arg15: memref<!tpu.dma_semaphore, #tpu.memory_space<semaphore_mem>>, %arg16: memref<!tpu.dma_semaphore, #tpu.memory_space<semaphore_mem>>, %arg17: memref<!tpu.dma_semaphore, #tpu.memory_space<semaphore_mem>>, %arg18: memref<10240x16xf32, #tpu.memory_space<vmem_shared>>) attributes {dimension_semantics = [#tpu.dimension_semantics<core_parallel>, #tpu.dimension_semantics<subcore_parallel>], iteration_bounds = array<i64: 2, 16>, scalar_prefetch = 0 : i64, scratch_operands = 11 : i64, tpu.core_type = #tpu.core_type<sc_vector_subcore>, window_params = [{transform_indices = #map}, {transform_indices = #map}, {transform_indices = #map}, {transform_indices = #map1}, {transform_indices = #map1}, {transform_indices = #map2}]} {
    %mul3A = arith.constant 2 : i32
    %mul3A_0 = arith.muli %arg1, %mul3A : i32
    %add3A = arith.addi %mul3A_0, %arg0 : i32
    %scan3A = arith.constant 0 : i32
    %scan3A_1 = arith.constant 0 : i32
    %scan3A_2 = arith.constant 512 : i32
    %scan3A_3 = arith.addi %scan3A_1, %scan3A_2 : i32
    %scan3A_4 = arith.constant 1 : i32
    %scan3A_5 = scf.for %scan3A_25 = %scan3A_1 to %scan3A_3 step %scan3A_4 iter_args(%scan3A_26 = %scan3A) -> (i32)  : i32 {
      %broadcast_in_dim3A = arith.constant 0.000000e+00 : f32
      %broadcast_in_dim3A_27 = vector.broadcast %broadcast_in_dim3A : f32 to vector<16xf32>
      %swap3A = arith.index_cast %scan3A_25 : i32 to index
      %swap3A_28 = arith.constant 0 : index
      %swap3A_29 = tpu.vector_load %arg13[%swap3A, %swap3A_28] {strides = array<i32>} : memref<512x16xf32, #tpu.memory_space<vmem>>, vector<1x16xf32>,
      %swap3A_30 = vector.shape_cast %swap3A_29 : vector<1x16xf32> to vector<16xf32>
      %swap3A_31 = vector.shape_cast %broadcast_in_dim3A_27 : vector<16xf32> to vector<1x16xf32>
      tpu.vector_store %arg13[%swap3A, %swap3A_28], %swap3A_31 {strides = array<i32>} : memref<512x16xf32, #tpu.memory_space<vmem>>, vector<1x16xf32>,
      %scan3A_32 = arith.constant 0 : i32
      scf.yield %scan3A_32 : i32
    }
    %scan3A_6 = arith.constant 512 : i32
    %mul3A_7 = arith.constant 640 : i32
    %mul3A_8 = arith.muli %arg1, %mul3A_7 : i32
    "tpu.region"() ({
      %run_scoped3A = tpu.sem_alloc : memref<!tpu.dma_semaphore, #tpu.memory_space<semaphore_mem>>
      %dma_start3A = arith.constant 0 : i32
      %dma_start3A_25 = tpu.memref_slice %arg18[%mul3A_8, %dma_start3A] : memref<10240x16xf32, #tpu.memory_space<vmem_shared>> -> memref<512x16xf32, #tpu.memory_space<vmem_shared>>
      %dma_start3A_26 = arith.constant 0 : i32
      %dma_start3A_27 = tpu.memref_slice %arg18[%mul3A_8, %dma_start3A_26] : memref<10240x16xf32, #tpu.memory_space<vmem_shared>> -> memref<512x16xf32, #tpu.memory_space<vmem_shared>>
      tpu.enqueue_dma source(%arg13 : memref<512x16xf32, #tpu.memory_space<vmem>>) target(%dma_start3A_27 : memref<512x16xf32, #tpu.memory_space<vmem_shared>>) target_semaphore(%run_scoped3A : memref<!tpu.dma_semaphore, #tpu.memory_space<semaphore_mem>>)
      %dma_wait3A = arith.constant 0 : i32
      %dma_wait3A_28 = tpu.memref_slice %arg18[%mul3A_8, %dma_wait3A] : memref<10240x16xf32, #tpu.memory_space<vmem_shared>> -> memref<512x16xf32, #tpu.memory_space<vmem_shared>>
      %dma_wait3A_29 = arith.constant 0 : i32
      %dma_wait3A_30 = tpu.memref_slice %arg18[%mul3A_8, %dma_wait3A_29] : memref<10240x16xf32, #tpu.memory_space<vmem_shared>> -> memref<512x16xf32, #tpu.memory_space<vmem_shared>>
      tpu.wait_dma2 semaphore(%run_scoped3A : memref<!tpu.dma_semaphore, #tpu.memory_space<semaphore_mem>>) src(%arg13 : memref<512x16xf32, #tpu.memory_space<vmem>>) dst(%dma_wait3A_30 : memref<512x16xf32, #tpu.memory_space<vmem_shared>>)
      tpu.yield
    }) : () -> ()
    %mul3A_9 = arith.constant 640 : i32
    %mul3A_10 = arith.muli %arg1, %mul3A_9 : i32
    %add3A_11 = arith.constant 512 : i32
    %add3A_12 = arith.addi %mul3A_10, %add3A_11 : i32
    "tpu.region"() ({
      %run_scoped3A = tpu.sem_alloc : memref<!tpu.dma_semaphore, #tpu.memory_space<semaphore_mem>>
      %dma_start3A = arith.constant 0 : i32
      %dma_start3A_25 = arith.constant 0 : i32
      %dma_start3A_26 = tpu.memref_slice %arg13[%dma_start3A, %dma_start3A_25] : memref<512x16xf32, #tpu.memory_space<vmem>> -> memref<128x16xf32, #tpu.memory_space<vmem>>
      %dma_start3A_27 = arith.constant 0 : i32
      %dma_start3A_28 = tpu.memref_slice %arg18[%add3A_12, %dma_start3A_27] : memref<10240x16xf32, #tpu.memory_space<vmem_shared>> -> memref<128x16xf32, #tpu.memory_space<vmem_shared>>
      %dma_start3A_29 = arith.constant 0 : i32
      %dma_start3A_30 = tpu.memref_slice %arg18[%add3A_12, %dma_start3A_29] : memref<10240x16xf32, #tpu.memory_space<vmem_shared>> -> memref<128x16xf32, #tpu.memory_space<vmem_shared>>
      %dma_start3A_31 = arith.constant 0 : i32
      %dma_start3A_32 = arith.constant 0 : i32
      %dma_start3A_33 = tpu.memref_slice %arg13[%dma_start3A_31, %dma_start3A_32] : memref<512x16xf32, #tpu.memory_space<vmem>> -> memref<128x16xf32, #tpu.memory_space<vmem>>
      tpu.enqueue_dma source(%dma_start3A_33 : memref<128x16xf32, #tpu.memory_space<vmem>>) target(%dma_start3A_30 : memref<128x16xf32, #tpu.memory_space<vmem_shared>>) target_semaphore(%run_scoped3A : memref<!tpu.dma_semaphore, #tpu.memory_space<semaphore_mem>>)
      %dma_wait3A = arith.constant 0 : i32
      %dma_wait3A_34 = arith.constant 0 : i32
      %dma_wait3A_35 = tpu.memref_slice %arg13[%dma_wait3A, %dma_wait3A_34] : memref<512x16xf32, #tpu.memory_space<vmem>> -> memref<128x16xf32, #tpu.memory_space<vmem>>
      %dma_wait3A_36 = arith.constant 0 : i32
      %dma_wait3A_37 = tpu.memref_slice %arg18[%add3A_12, %dma_wait3A_36] : memref<10240x16xf32, #tpu.memory_space<vmem_shared>> -> memref<128x16xf32, #tpu.memory_space<vmem_shared>>
      %dma_wait3A_38 = arith.constant 0 : i32
      %dma_wait3A_39 = tpu.memref_slice %arg18[%add3A_12, %dma_wait3A_38] : memref<10240x16xf32, #tpu.memory_space<vmem_shared>> -> memref<128x16xf32, #tpu.memory_space<vmem_shared>>
      %dma_wait3A_40 = arith.constant 0 : i32
      %dma_wait3A_41 = arith.constant 0 : i32
      %dma_wait3A_42 = tpu.memref_slice %arg13[%dma_wait3A_40, %dma_wait3A_41] : memref<512x16xf32, #tpu.memory_space<vmem>> -> memref<128x16xf32, #tpu.memory_space<vmem>>
      tpu.wait_dma2 semaphore(%run_scoped3A : memref<!tpu.dma_semaphore, #tpu.memory_space<semaphore_mem>>) src(%dma_wait3A_42 : memref<128x16xf32, #tpu.memory_space<vmem>>) dst(%dma_wait3A_39 : memref<128x16xf32, #tpu.memory_space<vmem_shared>>)
      tpu.yield
    }) : () -> ()
    %barrier3A = arith.constant 0 : index
    tpu.barrier barrier_id(%barrier3A)
    %scan3A_13 = arith.constant 0 : i32
    %scan3A_14 = arith.constant 0 : i32
    %scan3A_15 = arith.constant 20 : i32
    %scan3A_16 = arith.addi %scan3A_14, %scan3A_15 : i32
    %scan3A_17 = arith.constant 1 : i32
    %scan3A_18 = scf.for %scan3A_25 = %scan3A_14 to %scan3A_16 step %scan3A_17 iter_args(%scan3A_26 = %scan3A_13) -> (i32)  : i32 {
      %mul3A_27 = arith.constant 32 : i32
      %mul3A_28 = arith.muli %scan3A_25, %mul3A_27 : i32
      %add3A_29 = arith.addi %mul3A_28, %add3A : i32
      %lt3A = arith.constant 625 : i32
      %lt3A_30 = arith.cmpi slt, %add3A_29, %lt3A : i32
      %convert_element_type3A = arith.extui %lt3A_30 : i1 to i32
      %cond3A = arith.constant 0 : i32
      %cond3A_31 = arith.cmpi ne, %convert_element_type3A, %cond3A : i32
      scf.if %cond3A_31 {
        %mul3A_33 = arith.constant 512 : i32
        %mul3A_34 = arith.muli %add3A_29, %mul3A_33 : i32
        %add3A_35 = arith.constant 0 : i32
        %add3A_36 = arith.addi %mul3A_34, %add3A_35 : i32
        %dma_start3A = arith.constant 0 : i32
        %dma_start3A_37 = arith.constant 0 : i32
        %dma_start3A_38 = tpu.memref_slice %arg8[%dma_start3A, %dma_start3A_37] : memref<4x128xi32, #tpu.memory_space<vmem>> -> memref<1x128xi32, #tpu.memory_space<vmem>>
        %dma_start3A_39 = tpu.memref_squeeze %dma_start3A_38 : memref<1x128xi32, #tpu.memory_space<vmem>> -> memref<128xi32, #tpu.memory_space<vmem>>
        %dma_start3A_40 = tpu.memref_slice %arg5[%add3A_36] : memref<320000xi32, #tpu.memory_space<hbm>> -> memref<128xi32, #tpu.memory_space<hbm>>
        %dma_start3A_41 = arith.constant 0 : i32
        %dma_start3A_42 = tpu.memref_slice %arg8[%dma_start3A, %dma_start3A_41] : memref<4x128xi32, #tpu.memory_space<vmem>> -> memref<1x128xi32, #tpu.memory_space<vmem>>
        %dma_start3A_43 = tpu.memref_squeeze %dma_start3A_42 : memref<1x128xi32, #tpu.memory_space<vmem>> -> memref<128xi32, #tpu.memory_space<vmem>>
        %dma_start3A_44 = tpu.memref_slice %arg5[%add3A_36] : memref<320000xi32, #tpu.memory_space<hbm>> -> memref<128xi32, #tpu.memory_space<hbm>>
        tpu.enqueue_dma source(%dma_start3A_44 : memref<128xi32, #tpu.memory_space<hbm>>) target(%dma_start3A_43 : memref<128xi32, #tpu.memory_space<vmem>>) target_semaphore(%arg14 : memref<!tpu.dma_semaphore, #tpu.memory_space<semaphore_mem>>)
        %add3A_45 = arith.constant 0 : i32
        %add3A_46 = arith.addi %mul3A_34, %add3A_45 : i32
        %dma_start3A_47 = arith.constant 0 : i32
        %dma_start3A_48 = arith.constant 0 : i32
        %dma_start3A_49 = tpu.memref_slice %arg9[%dma_start3A_47, %dma_start3A_48] : memref<4x128xi32, #tpu.memory_space<vmem>> -> memref<1x128xi32, #tpu.memory_space<vmem>>
        %dma_start3A_50 = tpu.memref_squeeze %dma_start3A_49 : memref<1x128xi32, #tpu.memory_space<vmem>> -> memref<128xi32, #tpu.memory_space<vmem>>
        %dma_start3A_51 = tpu.memref_slice %arg6[%add3A_46] : memref<320000xi32, #tpu.memory_space<hbm>> -> memref<128xi32, #tpu.memory_space<hbm>>
        %dma_start3A_52 = arith.constant 0 : i32
        %dma_start3A_53 = tpu.memref_slice %arg9[%dma_start3A_47, %dma_start3A_52] : memref<4x128xi32, #tpu.memory_space<vmem>> -> memref<1x128xi32, #tpu.memory_space<vmem>>
        %dma_start3A_54 = tpu.memref_squeeze %dma_start3A_53 : memref<1x128xi32, #tpu.memory_space<vmem>> -> memref<128xi32, #tpu.memory_space<vmem>>
        %dma_start3A_55 = tpu.memref_slice %arg6[%add3A_46] : memref<320000xi32, #tpu.memory_space<hbm>> -> memref<128xi32, #tpu.memory_space<hbm>>
        tpu.enqueue_dma source(%dma_start3A_55 : memref<128xi32, #tpu.memory_space<hbm>>) target(%dma_start3A_54 : memref<128xi32, #tpu.memory_space<vmem>>) target_semaphore(%arg14 : memref<!tpu.dma_semaphore, #tpu.memory_space<semaphore_mem>>)
        %add3A_56 = arith.constant 128 : i32
        %add3A_57 = arith.addi %mul3A_34, %add3A_56 : i32
        %dma_start3A_58 = arith.constant 1 : i32
        %dma_start3A_59 = arith.constant 0 : i32
        %dma_start3A_60 = tpu.memref_slice %arg8[%dma_start3A_58, %dma_start3A_59] : memref<4x128xi32, #tpu.memory_space<vmem>> -> memref<1x128xi32, #tpu.memory_space<vmem>>
        %dma_start3A_61 = tpu.memref_squeeze %dma_start3A_60 : memref<1x128xi32, #tpu.memory_space<vmem>> -> memref<128xi32, #tpu.memory_space<vmem>>
        %dma_start3A_62 = tpu.memref_slice %arg5[%add3A_57] : memref<320000xi32, #tpu.memory_space<hbm>> -> memref<128xi32, #tpu.memory_space<hbm>>
        %dma_start3A_63 = arith.constant 0 : i32
        %dma_start3A_64 = tpu.memref_slice %arg8[%dma_start3A_58, %dma_start3A_63] : memref<4x128xi32, #tpu.memory_space<vmem>> -> memref<1x128xi32, #tpu.memory_space<vmem>>
        %dma_start3A_65 = tpu.memref_squeeze %dma_start3A_64 : memref<1x128xi32, #tpu.memory_space<vmem>> -> memref<128xi32, #tpu.memory_space<vmem>>
        %dma_start3A_66 = tpu.memref_slice %arg5[%add3A_57] : memref<320000xi32, #tpu.memory_space<hbm>> -> memref<128xi32, #tpu.memory_space<hbm>>
        tpu.enqueue_dma source(%dma_start3A_66 : memref<128xi32, #tpu.memory_space<hbm>>) target(%dma_start3A_65 : memref<128xi32, #tpu.memory_space<vmem>>) target_semaphore(%arg14 : memref<!tpu.dma_semaphore, #tpu.memory_space<semaphore_mem>>)
        %add3A_67 = arith.constant 128 : i32
        %add3A_68 = arith.addi %mul3A_34, %add3A_67 : i32
        %dma_start3A_69 = arith.constant 1 : i32
        %dma_start3A_70 = arith.constant 0 : i32
        %dma_start3A_71 = tpu.memref_slice %arg9[%dma_start3A_69, %dma_start3A_70] : memref<4x128xi32, #tpu.memory_space<vmem>> -> memref<1x128xi32, #tpu.memory_space<vmem>>
        %dma_start3A_72 = tpu.memref_squeeze %dma_start3A_71 : memref<1x128xi32, #tpu.memory_space<vmem>> -> memref<128xi32, #tpu.memory_space<vmem>>
        %dma_start3A_73 = tpu.memref_slice %arg6[%add3A_68] : memref<320000xi32, #tpu.memory_space<hbm>> -> memref<128xi32, #tpu.memory_space<hbm>>
        %dma_start3A_74 = arith.constant 0 : i32
        %dma_start3A_75 = tpu.memref_slice %arg9[%dma_start3A_69, %dma_start3A_74] : memref<4x128xi32, #tpu.memory_space<vmem>> -> memref<1x128xi32, #tpu.memory_space<vmem>>
        %dma_start3A_76 = tpu.memref_squeeze %dma_start3A_75 : memref<1x128xi32, #tpu.memory_space<vmem>> -> memref<128xi32, #tpu.memory_space<vmem>>
        %dma_start3A_77 = tpu.memref_slice %arg6[%add3A_68] : memref<320000xi32, #tpu.memory_space<hbm>> -> memref<128xi32, #tpu.memory_space<hbm>>
        tpu.enqueue_dma source(%dma_start3A_77 : memref<128xi32, #tpu.memory_space<hbm>>) target(%dma_start3A_76 : memref<128xi32, #tpu.memory_space<vmem>>) target_semaphore(%arg14 : memref<!tpu.dma_semaphore, #tpu.memory_space<semaphore_mem>>)
        %add3A_78 = arith.constant 256 : i32
        %add3A_79 = arith.addi %mul3A_34, %add3A_78 : i32
        %dma_start3A_80 = arith.constant 2 : i32
        %dma_start3A_81 = arith.constant 0 : i32
        %dma_start3A_82 = tpu.memref_slice %arg8[%dma_start3A_80, %dma_start3A_81] : memref<4x128xi32, #tpu.memory_space<vmem>> -> memref<1x128xi32, #tpu.memory_space<vmem>>
        %dma_start3A_83 = tpu.memref_squeeze %dma_start3A_82 : memref<1x128xi32, #tpu.memory_space<vmem>> -> memref<128xi32, #tpu.memory_space<vmem>>
        %dma_start3A_84 = tpu.memref_slice %arg5[%add3A_79] : memref<320000xi32, #tpu.memory_space<hbm>> -> memref<128xi32, #tpu.memory_space<hbm>>
        %dma_start3A_85 = arith.constant 0 : i32
        %dma_start3A_86 = tpu.memref_slice %arg8[%dma_start3A_80, %dma_start3A_85] : memref<4x128xi32, #tpu.memory_space<vmem>> -> memref<1x128xi32, #tpu.memory_space<vmem>>
        %dma_start3A_87 = tpu.memref_squeeze %dma_start3A_86 : memref<1x128xi32, #tpu.memory_space<vmem>> -> memref<128xi32, #tpu.memory_space<vmem>>
        %dma_start3A_88 = tpu.memref_slice %arg5[%add3A_79] : memref<320000xi32, #tpu.memory_space<hbm>> -> memref<128xi32, #tpu.memory_space<hbm>>
        tpu.enqueue_dma source(%dma_start3A_88 : memref<128xi32, #tpu.memory_space<hbm>>) target(%dma_start3A_87 : memref<128xi32, #tpu.memory_space<vmem>>) target_semaphore(%arg14 : memref<!tpu.dma_semaphore, #tpu.memory_space<semaphore_mem>>)
        %add3A_89 = arith.constant 256 : i32
        %add3A_90 = arith.addi %mul3A_34, %add3A_89 : i32
        %dma_start3A_91 = arith.constant 2 : i32
        %dma_start3A_92 = arith.constant 0 : i32
        %dma_start3A_93 = tpu.memref_slice %arg9[%dma_start3A_91, %dma_start3A_92] : memref<4x128xi32, #tpu.memory_space<vmem>> -> memref<1x128xi32, #tpu.memory_space<vmem>>
        %dma_start3A_94 = tpu.memref_squeeze %dma_start3A_93 : memref<1x128xi32, #tpu.memory_space<vmem>> -> memref<128xi32, #tpu.memory_space<vmem>>
        %dma_start3A_95 = tpu.memref_slice %arg6[%add3A_90] : memref<320000xi32, #tpu.memory_space<hbm>> -> memref<128xi32, #tpu.memory_space<hbm>>
        %dma_start3A_96 = arith.constant 0 : i32
        %dma_start3A_97 = tpu.memref_slice %arg9[%dma_start3A_91, %dma_start3A_96] : memref<4x128xi32, #tpu.memory_space<vmem>> -> memref<1x128xi32, #tpu.memory_space<vmem>>
        %dma_start3A_98 = tpu.memref_squeeze %dma_start3A_97 : memref<1x128xi32, #tpu.memory_space<vmem>> -> memref<128xi32, #tpu.memory_space<vmem>>
        %dma_start3A_99 = tpu.memref_slice %arg6[%add3A_90] : memref<320000xi32, #tpu.memory_space<hbm>> -> memref<128xi32, #tpu.memory_space<hbm>>
        tpu.enqueue_dma source(%dma_start3A_99 : memref<128xi32, #tpu.memory_space<hbm>>) target(%dma_start3A_98 : memref<128xi32, #tpu.memory_space<vmem>>) target_semaphore(%arg14 : memref<!tpu.dma_semaphore, #tpu.memory_space<semaphore_mem>>)
        %add3A_100 = arith.constant 384 : i32
        %add3A_101 = arith.addi %mul3A_34, %add3A_100 : i32
        %dma_start3A_102 = arith.constant 3 : i32
        %dma_start3A_103 = arith.constant 0 : i32
        %dma_start3A_104 = tpu.memref_slice %arg8[%dma_start3A_102, %dma_start3A_103] : memref<4x128xi32, #tpu.memory_space<vmem>> -> memref<1x128xi32, #tpu.memory_space<vmem>>
        %dma_start3A_105 = tpu.memref_squeeze %dma_start3A_104 : memref<1x128xi32, #tpu.memory_space<vmem>> -> memref<128xi32, #tpu.memory_space<vmem>>
        %dma_start3A_106 = tpu.memref_slice %arg5[%add3A_101] : memref<320000xi32, #tpu.memory_space<hbm>> -> memref<128xi32, #tpu.memory_space<hbm>>
        %dma_start3A_107 = arith.constant 0 : i32
        %dma_start3A_108 = tpu.memref_slice %arg8[%dma_start3A_102, %dma_start3A_107] : memref<4x128xi32, #tpu.memory_space<vmem>> -> memref<1x128xi32, #tpu.memory_space<vmem>>
        %dma_start3A_109 = tpu.memref_squeeze %dma_start3A_108 : memref<1x128xi32, #tpu.memory_space<vmem>> -> memref<128xi32, #tpu.memory_space<vmem>>
        %dma_start3A_110 = tpu.memref_slice %arg5[%add3A_101] : memref<320000xi32, #tpu.memory_space<hbm>> -> memref<128xi32, #tpu.memory_space<hbm>>
        tpu.enqueue_dma source(%dma_start3A_110 : memref<128xi32, #tpu.memory_space<hbm>>) target(%dma_start3A_109 : memref<128xi32, #tpu.memory_space<vmem>>) target_semaphore(%arg14 : memref<!tpu.dma_semaphore, #tpu.memory_space<semaphore_mem>>)
        %add3A_111 = arith.constant 384 : i32
        %add3A_112 = arith.addi %mul3A_34, %add3A_111 : i32
        %dma_start3A_113 = arith.constant 3 : i32
        %dma_start3A_114 = arith.constant 0 : i32
        %dma_start3A_115 = tpu.memref_slice %arg9[%dma_start3A_113, %dma_start3A_114] : memref<4x128xi32, #tpu.memory_space<vmem>> -> memref<1x128xi32, #tpu.memory_space<vmem>>
        %dma_start3A_116 = tpu.memref_squeeze %dma_start3A_115 : memref<1x128xi32, #tpu.memory_space<vmem>> -> memref<128xi32, #tpu.memory_space<vmem>>
        %dma_start3A_117 = tpu.memref_slice %arg6[%add3A_112] : memref<320000xi32, #tpu.memory_space<hbm>> -> memref<128xi32, #tpu.memory_space<hbm>>
        %dma_start3A_118 = arith.constant 0 : i32
        %dma_start3A_119 = tpu.memref_slice %arg9[%dma_start3A_113, %dma_start3A_118] : memref<4x128xi32, #tpu.memory_space<vmem>> -> memref<1x128xi32, #tpu.memory_space<vmem>>
        %dma_start3A_120 = tpu.memref_squeeze %dma_start3A_119 : memref<1x128xi32, #tpu.memory_space<vmem>> -> memref<128xi32, #tpu.memory_space<vmem>>
        %dma_start3A_121 = tpu.memref_slice %arg6[%add3A_112] : memref<320000xi32, #tpu.memory_space<hbm>> -> memref<128xi32, #tpu.memory_space<hbm>>
        tpu.enqueue_dma source(%dma_start3A_121 : memref<128xi32, #tpu.memory_space<hbm>>) target(%dma_start3A_120 : memref<128xi32, #tpu.memory_space<vmem>>) target_semaphore(%arg14 : memref<!tpu.dma_semaphore, #tpu.memory_space<semaphore_mem>>)
        %dma_wait3A = arith.constant 0 : i32
        %dma_wait3A_122 = arith.constant 0 : i32
        %dma_wait3A_123 = tpu.memref_slice %arg8[%dma_wait3A, %dma_wait3A_122] : memref<4x128xi32, #tpu.memory_space<vmem>> -> memref<1x128xi32, #tpu.memory_space<vmem>>
        %dma_wait3A_124 = tpu.memref_squeeze %dma_wait3A_123 : memref<1x128xi32, #tpu.memory_space<vmem>> -> memref<128xi32, #tpu.memory_space<vmem>>
        %dma_wait3A_125 = tpu.memref_slice %arg5[%add3A_36] : memref<320000xi32, #tpu.memory_space<hbm>> -> memref<128xi32, #tpu.memory_space<hbm>>
        %dma_wait3A_126 = arith.constant 0 : i32
        %dma_wait3A_127 = tpu.memref_slice %arg8[%dma_wait3A, %dma_wait3A_126] : memref<4x128xi32, #tpu.memory_space<vmem>> -> memref<1x128xi32, #tpu.memory_space<vmem>>
        %dma_wait3A_128 = tpu.memref_squeeze %dma_wait3A_127 : memref<1x128xi32, #tpu.memory_space<vmem>> -> memref<128xi32, #tpu.memory_space<vmem>>
        %dma_wait3A_129 = tpu.memref_slice %arg5[%add3A_36] : memref<320000xi32, #tpu.memory_space<hbm>> -> memref<128xi32, #tpu.memory_space<hbm>>
        tpu.wait_dma2 semaphore(%arg14 : memref<!tpu.dma_semaphore, #tpu.memory_space<semaphore_mem>>) src(%dma_wait3A_129 : memref<128xi32, #tpu.memory_space<hbm>>) dst(%dma_wait3A_128 : memref<128xi32, #tpu.memory_space<vmem>>)
        %dma_wait3A_130 = arith.constant 0 : i32
        %dma_wait3A_131 = arith.constant 0 : i32
        %dma_wait3A_132 = tpu.memref_slice %arg9[%dma_wait3A_130, %dma_wait3A_131] : memref<4x128xi32, #tpu.memory_space<vmem>> -> memref<1x128xi32, #tpu.memory_space<vmem>>
        %dma_wait3A_133 = tpu.memref_squeeze %dma_wait3A_132 : memref<1x128xi32, #tpu.memory_space<vmem>> -> memref<128xi32, #tpu.memory_space<vmem>>
        %dma_wait3A_134 = tpu.memref_slice %arg6[%add3A_46] : memref<320000xi32, #tpu.memory_space<hbm>> -> memref<128xi32, #tpu.memory_space<hbm>>
        %dma_wait3A_135 = arith.constant 0 : i32
        %dma_wait3A_136 = tpu.memref_slice %arg9[%dma_wait3A_130, %dma_wait3A_135] : memref<4x128xi32, #tpu.memory_space<vmem>> -> memref<1x128xi32, #tpu.memory_space<vmem>>
        %dma_wait3A_137 = tpu.memref_squeeze %dma_wait3A_136 : memref<1x128xi32, #tpu.memory_space<vmem>> -> memref<128xi32, #tpu.memory_space<vmem>>
        %dma_wait3A_138 = tpu.memref_slice %arg6[%add3A_46] : memref<320000xi32, #tpu.memory_space<hbm>> -> memref<128xi32, #tpu.memory_space<hbm>>
        tpu.wait_dma2 semaphore(%arg14 : memref<!tpu.dma_semaphore, #tpu.memory_space<semaphore_mem>>) src(%dma_wait3A_138 : memref<128xi32, #tpu.memory_space<hbm>>) dst(%dma_wait3A_137 : memref<128xi32, #tpu.memory_space<vmem>>)
        %dma_wait3A_139 = arith.constant 1 : i32
        %dma_wait3A_140 = arith.constant 0 : i32
        %dma_wait3A_141 = tpu.memref_slice %arg8[%dma_wait3A_139, %dma_wait3A_140] : memref<4x128xi32, #tpu.memory_space<vmem>> -> memref<1x128xi32, #tpu.memory_space<vmem>>
        %dma_wait3A_142 = tpu.memref_squeeze %dma_wait3A_141 : memref<1x128xi32, #tpu.memory_space<vmem>> -> memref<128xi32, #tpu.memory_space<vmem>>
        %dma_wait3A_143 = tpu.memref_slice %arg5[%add3A_57] : memref<320000xi32, #tpu.memory_space<hbm>> -> memref<128xi32, #tpu.memory_space<hbm>>
        %dma_wait3A_144 = arith.constant 0 : i32
        %dma_wait3A_145 = tpu.memref_slice %arg8[%dma_wait3A_139, %dma_wait3A_144] : memref<4x128xi32, #tpu.memory_space<vmem>> -> memref<1x128xi32, #tpu.memory_space<vmem>>
        %dma_wait3A_146 = tpu.memref_squeeze %dma_wait3A_145 : memref<1x128xi32, #tpu.memory_space<vmem>> -> memref<128xi32, #tpu.memory_space<vmem>>
        %dma_wait3A_147 = tpu.memref_slice %arg5[%add3A_57] : memref<320000xi32, #tpu.memory_space<hbm>> -> memref<128xi32, #tpu.memory_space<hbm>>
        tpu.wait_dma2 semaphore(%arg14 : memref<!tpu.dma_semaphore, #tpu.memory_space<semaphore_mem>>) src(%dma_wait3A_147 : memref<128xi32, #tpu.memory_space<hbm>>) dst(%dma_wait3A_146 : memref<128xi32, #tpu.memory_space<vmem>>)
        %dma_wait3A_148 = arith.constant 1 : i32
        %dma_wait3A_149 = arith.constant 0 : i32
        %dma_wait3A_150 = tpu.memref_slice %arg9[%dma_wait3A_148, %dma_wait3A_149] : memref<4x128xi32, #tpu.memory_space<vmem>> -> memref<1x128xi32, #tpu.memory_space<vmem>>
        %dma_wait3A_151 = tpu.memref_squeeze %dma_wait3A_150 : memref<1x128xi32, #tpu.memory_space<vmem>> -> memref<128xi32, #tpu.memory_space<vmem>>
        %dma_wait3A_152 = tpu.memref_slice %arg6[%add3A_68] : memref<320000xi32, #tpu.memory_space<hbm>> -> memref<128xi32, #tpu.memory_space<hbm>>
        %dma_wait3A_153 = arith.constant 0 : i32
        %dma_wait3A_154 = tpu.memref_slice %arg9[%dma_wait3A_148, %dma_wait3A_153] : memref<4x128xi32, #tpu.memory_space<vmem>> -> memref<1x128xi32, #tpu.memory_space<vmem>>
        %dma_wait3A_155 = tpu.memref_squeeze %dma_wait3A_154 : memref<1x128xi32, #tpu.memory_space<vmem>> -> memref<128xi32, #tpu.memory_space<vmem>>
        %dma_wait3A_156 = tpu.memref_slice %arg6[%add3A_68] : memref<320000xi32, #tpu.memory_space<hbm>> -> memref<128xi32, #tpu.memory_space<hbm>>
        tpu.wait_dma2 semaphore(%arg14 : memref<!tpu.dma_semaphore, #tpu.memory_space<semaphore_mem>>) src(%dma_wait3A_156 : memref<128xi32, #tpu.memory_space<hbm>>) dst(%dma_wait3A_155 : memref<128xi32, #tpu.memory_space<vmem>>)
        %dma_wait3A_157 = arith.constant 2 : i32
        %dma_wait3A_158 = arith.constant 0 : i32
        %dma_wait3A_159 = tpu.memref_slice %arg8[%dma_wait3A_157, %dma_wait3A_158] : memref<4x128xi32, #tpu.memory_space<vmem>> -> memref<1x128xi32, #tpu.memory_space<vmem>>
        %dma_wait3A_160 = tpu.memref_squeeze %dma_wait3A_159 : memref<1x128xi32, #tpu.memory_space<vmem>> -> memref<128xi32, #tpu.memory_space<vmem>>
        %dma_wait3A_161 = tpu.memref_slice %arg5[%add3A_79] : memref<320000xi32, #tpu.memory_space<hbm>> -> memref<128xi32, #tpu.memory_space<hbm>>
        %dma_wait3A_162 = arith.constant 0 : i32
        %dma_wait3A_163 = tpu.memref_slice %arg8[%dma_wait3A_157, %dma_wait3A_162] : memref<4x128xi32, #tpu.memory_space<vmem>> -> memref<1x128xi32, #tpu.memory_space<vmem>>
        %dma_wait3A_164 = tpu.memref_squeeze %dma_wait3A_163 : memref<1x128xi32, #tpu.memory_space<vmem>> -> memref<128xi32, #tpu.memory_space<vmem>>
        %dma_wait3A_165 = tpu.memref_slice %arg5[%add3A_79] : memref<320000xi32, #tpu.memory_space<hbm>> -> memref<128xi32, #tpu.memory_space<hbm>>
        tpu.wait_dma2 semaphore(%arg14 : memref<!tpu.dma_semaphore, #tpu.memory_space<semaphore_mem>>) src(%dma_wait3A_165 : memref<128xi32, #tpu.memory_space<hbm>>) dst(%dma_wait3A_164 : memref<128xi32, #tpu.memory_space<vmem>>)
        %dma_wait3A_166 = arith.constant 2 : i32
        %dma_wait3A_167 = arith.constant 0 : i32
        %dma_wait3A_168 = tpu.memref_slice %arg9[%dma_wait3A_166, %dma_wait3A_167] : memref<4x128xi32, #tpu.memory_space<vmem>> -> memref<1x128xi32, #tpu.memory_space<vmem>>
        %dma_wait3A_169 = tpu.memref_squeeze %dma_wait3A_168 : memref<1x128xi32, #tpu.memory_space<vmem>> -> memref<128xi32, #tpu.memory_space<vmem>>
        %dma_wait3A_170 = tpu.memref_slice %arg6[%add3A_90] : memref<320000xi32, #tpu.memory_space<hbm>> -> memref<128xi32, #tpu.memory_space<hbm>>
        %dma_wait3A_171 = arith.constant 0 : i32
        %dma_wait3A_172 = tpu.memref_slice %arg9[%dma_wait3A_166, %dma_wait3A_171] : memref<4x128xi32, #tpu.memory_space<vmem>> -> memref<1x128xi32, #tpu.memory_space<vmem>>
        %dma_wait3A_173 = tpu.memref_squeeze %dma_wait3A_172 : memref<1x128xi32, #tpu.memory_space<vmem>> -> memref<128xi32, #tpu.memory_space<vmem>>
        %dma_wait3A_174 = tpu.memref_slice %arg6[%add3A_90] : memref<320000xi32, #tpu.memory_space<hbm>> -> memref<128xi32, #tpu.memory_space<hbm>>
        tpu.wait_dma2 semaphore(%arg14 : memref<!tpu.dma_semaphore, #tpu.memory_space<semaphore_mem>>) src(%dma_wait3A_174 : memref<128xi32, #tpu.memory_space<hbm>>) dst(%dma_wait3A_173 : memref<128xi32, #tpu.memory_space<vmem>>)
        %dma_wait3A_175 = arith.constant 3 : i32
        %dma_wait3A_176 = arith.constant 0 : i32
        %dma_wait3A_177 = tpu.memref_slice %arg8[%dma_wait3A_175, %dma_wait3A_176] : memref<4x128xi32, #tpu.memory_space<vmem>> -> memref<1x128xi32, #tpu.memory_space<vmem>>
        %dma_wait3A_178 = tpu.memref_squeeze %dma_wait3A_177 : memref<1x128xi32, #tpu.memory_space<vmem>> -> memref<128xi32, #tpu.memory_space<vmem>>
        %dma_wait3A_179 = tpu.memref_slice %arg5[%add3A_101] : memref<320000xi32, #tpu.memory_space<hbm>> -> memref<128xi32, #tpu.memory_space<hbm>>
        %dma_wait3A_180 = arith.constant 0 : i32
        %dma_wait3A_181 = tpu.memref_slice %arg8[%dma_wait3A_175, %dma_wait3A_180] : memref<4x128xi32, #tpu.memory_space<vmem>> -> memref<1x128xi32, #tpu.memory_space<vmem>>
        %dma_wait3A_182 = tpu.memref_squeeze %dma_wait3A_181 : memref<1x128xi32, #tpu.memory_space<vmem>> -> memref<128xi32, #tpu.memory_space<vmem>>
        %dma_wait3A_183 = tpu.memref_slice %arg5[%add3A_101] : memref<320000xi32, #tpu.memory_space<hbm>> -> memref<128xi32, #tpu.memory_space<hbm>>
        tpu.wait_dma2 semaphore(%arg14 : memref<!tpu.dma_semaphore, #tpu.memory_space<semaphore_mem>>) src(%dma_wait3A_183 : memref<128xi32, #tpu.memory_space<hbm>>) dst(%dma_wait3A_182 : memref<128xi32, #tpu.memory_space<vmem>>)
        %dma_wait3A_184 = arith.constant 3 : i32
        %dma_wait3A_185 = arith.constant 0 : i32
        %dma_wait3A_186 = tpu.memref_slice %arg9[%dma_wait3A_184, %dma_wait3A_185] : memref<4x128xi32, #tpu.memory_space<vmem>> -> memref<1x128xi32, #tpu.memory_space<vmem>>
        %dma_wait3A_187 = tpu.memref_squeeze %dma_wait3A_186 : memref<1x128xi32, #tpu.memory_space<vmem>> -> memref<128xi32, #tpu.memory_space<vmem>>
        %dma_wait3A_188 = tpu.memref_slice %arg6[%add3A_112] : memref<320000xi32, #tpu.memory_space<hbm>> -> memref<128xi32, #tpu.memory_space<hbm>>
        %dma_wait3A_189 = arith.constant 0 : i32
        %dma_wait3A_190 = tpu.memref_slice %arg9[%dma_wait3A_184, %dma_wait3A_189] : memref<4x128xi32, #tpu.memory_space<vmem>> -> memref<1x128xi32, #tpu.memory_space<vmem>>
        %dma_wait3A_191 = tpu.memref_squeeze %dma_wait3A_190 : memref<1x128xi32, #tpu.memory_space<vmem>> -> memref<128xi32, #tpu.memory_space<vmem>>
        %dma_wait3A_192 = tpu.memref_slice %arg6[%add3A_112] : memref<320000xi32, #tpu.memory_space<hbm>> -> memref<128xi32, #tpu.memory_space<hbm>>
        tpu.wait_dma2 semaphore(%arg14 : memref<!tpu.dma_semaphore, #tpu.memory_space<semaphore_mem>>) src(%dma_wait3A_192 : memref<128xi32, #tpu.memory_space<hbm>>) dst(%dma_wait3A_191 : memref<128xi32, #tpu.memory_space<vmem>>)
        %dma_start3A_193 = arith.constant 0 : i32
        %dma_start3A_194 = arith.constant 0 : i32
        %dma_start3A_195 = arith.constant 0 : i32
        %dma_start3A_196 = tpu.memref_slice %arg10[%dma_start3A_194, %dma_start3A_195] : memref<512x16xf32, #tpu.memory_space<vmem>> -> memref<128x16xf32, #tpu.memory_space<vmem>>
        %dma_start3A_197 = arith.constant 0 : i32
        %dma_start3A_198 = tpu.memref_slice %arg8[%dma_start3A_193, %dma_start3A_197] : memref<4x128xi32, #tpu.memory_space<vmem>> -> memref<1x128xi32, #tpu.memory_space<vmem>>
        %dma_start3A_199 = tpu.memref_squeeze %dma_start3A_198 : memref<1x128xi32, #tpu.memory_space<vmem>> -> memref<128xi32, #tpu.memory_space<vmem>>
        %dma_start3A_200 = arith.constant 0 : i32
        %dma_start3A_201 = arith.constant 0 : i32
        %dma_start3A_202 = tpu.memref_slice %arg2[%dma_start3A_200, %dma_start3A_201] : memref<10000x16xf32, #tpu.memory_space<hbm>> -> memref<10000x16xf32, #tpu.memory_space<hbm>>
        tpu.enqueue_indirect_dma source(%dma_start3A_202 : memref<10000x16xf32, #tpu.memory_space<hbm>>) target(%dma_start3A_196 : memref<128x16xf32, #tpu.memory_space<vmem>>) offsets(%dma_start3A_199 : memref<128xi32, #tpu.memory_space<vmem>>) semaphore(%arg15 : memref<!tpu.dma_semaphore, #tpu.memory_space<semaphore_mem>>)
        %dma_start3A_203 = arith.constant 0 : i32
        %dma_start3A_204 = arith.constant 0 : i32
        %dma_start3A_205 = arith.constant 0 : i32
        %dma_start3A_206 = tpu.memref_slice %arg11[%dma_start3A_204, %dma_start3A_205] : memref<512x16xf32, #tpu.memory_space<vmem>> -> memref<128x16xf32, #tpu.memory_space<vmem>>
        %dma_start3A_207 = arith.constant 0 : i32
        %dma_start3A_208 = tpu.memref_slice %arg9[%dma_start3A_203, %dma_start3A_207] : memref<4x128xi32, #tpu.memory_space<vmem>> -> memref<1x128xi32, #tpu.memory_space<vmem>>
        %dma_start3A_209 = tpu.memref_squeeze %dma_start3A_208 : memref<1x128xi32, #tpu.memory_space<vmem>> -> memref<128xi32, #tpu.memory_space<vmem>>
        %dma_start3A_210 = arith.constant 0 : i32
        %dma_start3A_211 = arith.constant 0 : i32
        %dma_start3A_212 = tpu.memref_slice %arg3[%dma_start3A_210, %dma_start3A_211] : memref<10000x16xf32, #tpu.memory_space<hbm>> -> memref<10000x16xf32, #tpu.memory_space<hbm>>
        tpu.enqueue_indirect_dma source(%dma_start3A_212 : memref<10000x16xf32, #tpu.memory_space<hbm>>) target(%dma_start3A_206 : memref<128x16xf32, #tpu.memory_space<vmem>>) offsets(%dma_start3A_209 : memref<128xi32, #tpu.memory_space<vmem>>) semaphore(%arg15 : memref<!tpu.dma_semaphore, #tpu.memory_space<semaphore_mem>>)
        %dma_start3A_213 = arith.constant 1 : i32
        %dma_start3A_214 = arith.constant 128 : i32
        %dma_start3A_215 = arith.constant 0 : i32
        %dma_start3A_216 = tpu.memref_slice %arg10[%dma_start3A_214, %dma_start3A_215] : memref<512x16xf32, #tpu.memory_space<vmem>> -> memref<128x16xf32, #tpu.memory_space<vmem>>
        %dma_start3A_217 = arith.constant 0 : i32
        %dma_start3A_218 = tpu.memref_slice %arg8[%dma_start3A_213, %dma_start3A_217] : memref<4x128xi32, #tpu.memory_space<vmem>> -> memref<1x128xi32, #tpu.memory_space<vmem>>
        %dma_start3A_219 = tpu.memref_squeeze %dma_start3A_218 : memref<1x128xi32, #tpu.memory_space<vmem>> -> memref<128xi32, #tpu.memory_space<vmem>>
        %dma_start3A_220 = arith.constant 0 : i32
        %dma_start3A_221 = arith.constant 0 : i32
        %dma_start3A_222 = tpu.memref_slice %arg2[%dma_start3A_220, %dma_start3A_221] : memref<10000x16xf32, #tpu.memory_space<hbm>> -> memref<10000x16xf32, #tpu.memory_space<hbm>>
        tpu.enqueue_indirect_dma source(%dma_start3A_222 : memref<10000x16xf32, #tpu.memory_space<hbm>>) target(%dma_start3A_216 : memref<128x16xf32, #tpu.memory_space<vmem>>) offsets(%dma_start3A_219 : memref<128xi32, #tpu.memory_space<vmem>>) semaphore(%arg15 : memref<!tpu.dma_semaphore, #tpu.memory_space<semaphore_mem>>)
        %dma_start3A_223 = arith.constant 1 : i32
        %dma_start3A_224 = arith.constant 128 : i32
        %dma_start3A_225 = arith.constant 0 : i32
        %dma_start3A_226 = tpu.memref_slice %arg11[%dma_start3A_224, %dma_start3A_225] : memref<512x16xf32, #tpu.memory_space<vmem>> -> memref<128x16xf32, #tpu.memory_space<vmem>>
        %dma_start3A_227 = arith.constant 0 : i32
        %dma_start3A_228 = tpu.memref_slice %arg9[%dma_start3A_223, %dma_start3A_227] : memref<4x128xi32, #tpu.memory_space<vmem>> -> memref<1x128xi32, #tpu.memory_space<vmem>>
        %dma_start3A_229 = tpu.memref_squeeze %dma_start3A_228 : memref<1x128xi32, #tpu.memory_space<vmem>> -> memref<128xi32, #tpu.memory_space<vmem>>
        %dma_start3A_230 = arith.constant 0 : i32
        %dma_start3A_231 = arith.constant 0 : i32
        %dma_start3A_232 = tpu.memref_slice %arg3[%dma_start3A_230, %dma_start3A_231] : memref<10000x16xf32, #tpu.memory_space<hbm>> -> memref<10000x16xf32, #tpu.memory_space<hbm>>
        tpu.enqueue_indirect_dma source(%dma_start3A_232 : memref<10000x16xf32, #tpu.memory_space<hbm>>) target(%dma_start3A_226 : memref<128x16xf32, #tpu.memory_space<vmem>>) offsets(%dma_start3A_229 : memref<128xi32, #tpu.memory_space<vmem>>) semaphore(%arg15 : memref<!tpu.dma_semaphore, #tpu.memory_space<semaphore_mem>>)
        %dma_start3A_233 = arith.constant 2 : i32
        %dma_start3A_234 = arith.constant 256 : i32
        %dma_start3A_235 = arith.constant 0 : i32
        %dma_start3A_236 = tpu.memref_slice %arg10[%dma_start3A_234, %dma_start3A_235] : memref<512x16xf32, #tpu.memory_space<vmem>> -> memref<128x16xf32, #tpu.memory_space<vmem>>
        %dma_start3A_237 = arith.constant 0 : i32
        %dma_start3A_238 = tpu.memref_slice %arg8[%dma_start3A_233, %dma_start3A_237] : memref<4x128xi32, #tpu.memory_space<vmem>> -> memref<1x128xi32, #tpu.memory_space<vmem>>
        %dma_start3A_239 = tpu.memref_squeeze %dma_start3A_238 : memref<1x128xi32, #tpu.memory_space<vmem>> -> memref<128xi32, #tpu.memory_space<vmem>>
        %dma_start3A_240 = arith.constant 0 : i32
        %dma_start3A_241 = arith.constant 0 : i32
        %dma_start3A_242 = tpu.memref_slice %arg2[%dma_start3A_240, %dma_start3A_241] : memref<10000x16xf32, #tpu.memory_space<hbm>> -> memref<10000x16xf32, #tpu.memory_space<hbm>>
        tpu.enqueue_indirect_dma source(%dma_start3A_242 : memref<10000x16xf32, #tpu.memory_space<hbm>>) target(%dma_start3A_236 : memref<128x16xf32, #tpu.memory_space<vmem>>) offsets(%dma_start3A_239 : memref<128xi32, #tpu.memory_space<vmem>>) semaphore(%arg15 : memref<!tpu.dma_semaphore, #tpu.memory_space<semaphore_mem>>)
        %dma_start3A_243 = arith.constant 2 : i32
        %dma_start3A_244 = arith.constant 256 : i32
        %dma_start3A_245 = arith.constant 0 : i32
        %dma_start3A_246 = tpu.memref_slice %arg11[%dma_start3A_244, %dma_start3A_245] : memref<512x16xf32, #tpu.memory_space<vmem>> -> memref<128x16xf32, #tpu.memory_space<vmem>>
        %dma_start3A_247 = arith.constant 0 : i32
        %dma_start3A_248 = tpu.memref_slice %arg9[%dma_start3A_243, %dma_start3A_247] : memref<4x128xi32, #tpu.memory_space<vmem>> -> memref<1x128xi32, #tpu.memory_space<vmem>>
        %dma_start3A_249 = tpu.memref_squeeze %dma_start3A_248 : memref<1x128xi32, #tpu.memory_space<vmem>> -> memref<128xi32, #tpu.memory_space<vmem>>
        %dma_start3A_250 = arith.constant 0 : i32
        %dma_start3A_251 = arith.constant 0 : i32
        %dma_start3A_252 = tpu.memref_slice %arg3[%dma_start3A_250, %dma_start3A_251] : memref<10000x16xf32, #tpu.memory_space<hbm>> -> memref<10000x16xf32, #tpu.memory_space<hbm>>
        tpu.enqueue_indirect_dma source(%dma_start3A_252 : memref<10000x16xf32, #tpu.memory_space<hbm>>) target(%dma_start3A_246 : memref<128x16xf32, #tpu.memory_space<vmem>>) offsets(%dma_start3A_249 : memref<128xi32, #tpu.memory_space<vmem>>) semaphore(%arg15 : memref<!tpu.dma_semaphore, #tpu.memory_space<semaphore_mem>>)
        %dma_start3A_253 = arith.constant 3 : i32
        %dma_start3A_254 = arith.constant 384 : i32
        %dma_start3A_255 = arith.constant 0 : i32
        %dma_start3A_256 = tpu.memref_slice %arg10[%dma_start3A_254, %dma_start3A_255] : memref<512x16xf32, #tpu.memory_space<vmem>> -> memref<128x16xf32, #tpu.memory_space<vmem>>
        %dma_start3A_257 = arith.constant 0 : i32
        %dma_start3A_258 = tpu.memref_slice %arg8[%dma_start3A_253, %dma_start3A_257] : memref<4x128xi32, #tpu.memory_space<vmem>> -> memref<1x128xi32, #tpu.memory_space<vmem>>
        %dma_start3A_259 = tpu.memref_squeeze %dma_start3A_258 : memref<1x128xi32, #tpu.memory_space<vmem>> -> memref<128xi32, #tpu.memory_space<vmem>>
        %dma_start3A_260 = arith.constant 0 : i32
        %dma_start3A_261 = arith.constant 0 : i32
        %dma_start3A_262 = tpu.memref_slice %arg2[%dma_start3A_260, %dma_start3A_261] : memref<10000x16xf32, #tpu.memory_space<hbm>> -> memref<10000x16xf32, #tpu.memory_space<hbm>>
        tpu.enqueue_indirect_dma source(%dma_start3A_262 : memref<10000x16xf32, #tpu.memory_space<hbm>>) target(%dma_start3A_256 : memref<128x16xf32, #tpu.memory_space<vmem>>) offsets(%dma_start3A_259 : memref<128xi32, #tpu.memory_space<vmem>>) semaphore(%arg15 : memref<!tpu.dma_semaphore, #tpu.memory_space<semaphore_mem>>)
        %dma_start3A_263 = arith.constant 3 : i32
        %dma_start3A_264 = arith.constant 384 : i32
        %dma_start3A_265 = arith.constant 0 : i32
        %dma_start3A_266 = tpu.memref_slice %arg11[%dma_start3A_264, %dma_start3A_265] : memref<512x16xf32, #tpu.memory_space<vmem>> -> memref<128x16xf32, #tpu.memory_space<vmem>>
        %dma_start3A_267 = arith.constant 0 : i32
        %dma_start3A_268 = tpu.memref_slice %arg9[%dma_start3A_263, %dma_start3A_267] : memref<4x128xi32, #tpu.memory_space<vmem>> -> memref<1x128xi32, #tpu.memory_space<vmem>>
        %dma_start3A_269 = tpu.memref_squeeze %dma_start3A_268 : memref<1x128xi32, #tpu.memory_space<vmem>> -> memref<128xi32, #tpu.memory_space<vmem>>
        %dma_start3A_270 = arith.constant 0 : i32
        %dma_start3A_271 = arith.constant 0 : i32
        %dma_start3A_272 = tpu.memref_slice %arg3[%dma_start3A_270, %dma_start3A_271] : memref<10000x16xf32, #tpu.memory_space<hbm>> -> memref<10000x16xf32, #tpu.memory_space<hbm>>
        tpu.enqueue_indirect_dma source(%dma_start3A_272 : memref<10000x16xf32, #tpu.memory_space<hbm>>) target(%dma_start3A_266 : memref<128x16xf32, #tpu.memory_space<vmem>>) offsets(%dma_start3A_269 : memref<128xi32, #tpu.memory_space<vmem>>) semaphore(%arg15 : memref<!tpu.dma_semaphore, #tpu.memory_space<semaphore_mem>>)
        %dma_start3A_273 = arith.constant 0 : i32
        %dma_start3A_274 = tpu.memref_slice %arg4[%mul3A_34, %dma_start3A_273] : memref<320000x16xf32, #tpu.memory_space<hbm>> -> memref<512x16xf32, #tpu.memory_space<hbm>>
        %dma_start3A_275 = arith.constant 0 : i32
        %dma_start3A_276 = tpu.memref_slice %arg4[%mul3A_34, %dma_start3A_275] : memref<320000x16xf32, #tpu.memory_space<hbm>> -> memref<512x16xf32, #tpu.memory_space<hbm>>
        tpu.enqueue_dma source(%dma_start3A_276 : memref<512x16xf32, #tpu.memory_space<hbm>>) target(%arg12 : memref<512x16xf32, #tpu.memory_space<vmem>>) target_semaphore(%arg16 : memref<!tpu.dma_semaphore, #tpu.memory_space<semaphore_mem>>)
        %dma_wait3A_277 = arith.constant 0 : i32
        %dma_wait3A_278 = arith.constant 0 : i32
        %dma_wait3A_279 = arith.constant 0 : i32
        %dma_wait3A_280 = tpu.memref_slice %arg10[%dma_wait3A_278, %dma_wait3A_279] : memref<512x16xf32, #tpu.memory_space<vmem>> -> memref<128x16xf32, #tpu.memory_space<vmem>>
        %dma_wait3A_281 = arith.constant 0 : i32
        %dma_wait3A_282 = tpu.memref_slice %arg8[%dma_wait3A_277, %dma_wait3A_281] : memref<4x128xi32, #tpu.memory_space<vmem>> -> memref<1x128xi32, #tpu.memory_space<vmem>>
        %dma_wait3A_283 = tpu.memref_squeeze %dma_wait3A_282 : memref<1x128xi32, #tpu.memory_space<vmem>> -> memref<128xi32, #tpu.memory_space<vmem>>
        %dma_wait3A_284 = arith.constant 0 : i32
        %dma_wait3A_285 = arith.constant 0 : i32
        %dma_wait3A_286 = tpu.memref_slice %arg2[%dma_wait3A_284, %dma_wait3A_285] : memref<10000x16xf32, #tpu.memory_space<hbm>> -> memref<10000x16xf32, #tpu.memory_space<hbm>>
        tpu.wait_indirect_dma semaphore(%arg15 : memref<!tpu.dma_semaphore, #tpu.memory_space<semaphore_mem>>) src(%dma_wait3A_286 : memref<10000x16xf32, #tpu.memory_space<hbm>>) dst(%dma_wait3A_280 : memref<128x16xf32, #tpu.memory_space<vmem>>)
        %dma_wait3A_287 = arith.constant 0 : i32
        %dma_wait3A_288 = arith.constant 0 : i32
        %dma_wait3A_289 = arith.constant 0 : i32
        %dma_wait3A_290 = tpu.memref_slice %arg11[%dma_wait3A_288, %dma_wait3A_289] : memref<512x16xf32, #tpu.memory_space<vmem>> -> memref<128x16xf32, #tpu.memory_space<vmem>>
        %dma_wait3A_291 = arith.constant 0 : i32
        %dma_wait3A_292 = tpu.memref_slice %arg9[%dma_wait3A_287, %dma_wait3A_291] : memref<4x128xi32, #tpu.memory_space<vmem>> -> memref<1x128xi32, #tpu.memory_space<vmem>>
        %dma_wait3A_293 = tpu.memref_squeeze %dma_wait3A_292 : memref<1x128xi32, #tpu.memory_space<vmem>> -> memref<128xi32, #tpu.memory_space<vmem>>
        %dma_wait3A_294 = arith.constant 0 : i32
        %dma_wait3A_295 = arith.constant 0 : i32
        %dma_wait3A_296 = tpu.memref_slice %arg3[%dma_wait3A_294, %dma_wait3A_295] : memref<10000x16xf32, #tpu.memory_space<hbm>> -> memref<10000x16xf32, #tpu.memory_space<hbm>>
        tpu.wait_indirect_dma semaphore(%arg15 : memref<!tpu.dma_semaphore, #tpu.memory_space<semaphore_mem>>) src(%dma_wait3A_296 : memref<10000x16xf32, #tpu.memory_space<hbm>>) dst(%dma_wait3A_290 : memref<128x16xf32, #tpu.memory_space<vmem>>)
        %dma_wait3A_297 = arith.constant 1 : i32
        %dma_wait3A_298 = arith.constant 128 : i32
        %dma_wait3A_299 = arith.constant 0 : i32
        %dma_wait3A_300 = tpu.memref_slice %arg10[%dma_wait3A_298, %dma_wait3A_299] : memref<512x16xf32, #tpu.memory_space<vmem>> -> memref<128x16xf32, #tpu.memory_space<vmem>>
        %dma_wait3A_301 = arith.constant 0 : i32
        %dma_wait3A_302 = tpu.memref_slice %arg8[%dma_wait3A_297, %dma_wait3A_301] : memref<4x128xi32, #tpu.memory_space<vmem>> -> memref<1x128xi32, #tpu.memory_space<vmem>>
        %dma_wait3A_303 = tpu.memref_squeeze %dma_wait3A_302 : memref<1x128xi32, #tpu.memory_space<vmem>> -> memref<128xi32, #tpu.memory_space<vmem>>
        %dma_wait3A_304 = arith.constant 0 : i32
        %dma_wait3A_305 = arith.constant 0 : i32
        %dma_wait3A_306 = tpu.memref_slice %arg2[%dma_wait3A_304, %dma_wait3A_305] : memref<10000x16xf32, #tpu.memory_space<hbm>> -> memref<10000x16xf32, #tpu.memory_space<hbm>>
        tpu.wait_indirect_dma semaphore(%arg15 : memref<!tpu.dma_semaphore, #tpu.memory_space<semaphore_mem>>) src(%dma_wait3A_306 : memref<10000x16xf32, #tpu.memory_space<hbm>>) dst(%dma_wait3A_300 : memref<128x16xf32, #tpu.memory_space<vmem>>)
        %dma_wait3A_307 = arith.constant 1 : i32
        %dma_wait3A_308 = arith.constant 128 : i32
        %dma_wait3A_309 = arith.constant 0 : i32
        %dma_wait3A_310 = tpu.memref_slice %arg11[%dma_wait3A_308, %dma_wait3A_309] : memref<512x16xf32, #tpu.memory_space<vmem>> -> memref<128x16xf32, #tpu.memory_space<vmem>>
        %dma_wait3A_311 = arith.constant 0 : i32
        %dma_wait3A_312 = tpu.memref_slice %arg9[%dma_wait3A_307, %dma_wait3A_311] : memref<4x128xi32, #tpu.memory_space<vmem>> -> memref<1x128xi32, #tpu.memory_space<vmem>>
        %dma_wait3A_313 = tpu.memref_squeeze %dma_wait3A_312 : memref<1x128xi32, #tpu.memory_space<vmem>> -> memref<128xi32, #tpu.memory_space<vmem>>
        %dma_wait3A_314 = arith.constant 0 : i32
        %dma_wait3A_315 = arith.constant 0 : i32
        %dma_wait3A_316 = tpu.memref_slice %arg3[%dma_wait3A_314, %dma_wait3A_315] : memref<10000x16xf32, #tpu.memory_space<hbm>> -> memref<10000x16xf32, #tpu.memory_space<hbm>>
        tpu.wait_indirect_dma semaphore(%arg15 : memref<!tpu.dma_semaphore, #tpu.memory_space<semaphore_mem>>) src(%dma_wait3A_316 : memref<10000x16xf32, #tpu.memory_space<hbm>>) dst(%dma_wait3A_310 : memref<128x16xf32, #tpu.memory_space<vmem>>)
        %dma_wait3A_317 = arith.constant 2 : i32
        %dma_wait3A_318 = arith.constant 256 : i32
        %dma_wait3A_319 = arith.constant 0 : i32
        %dma_wait3A_320 = tpu.memref_slice %arg10[%dma_wait3A_318, %dma_wait3A_319] : memref<512x16xf32, #tpu.memory_space<vmem>> -> memref<128x16xf32, #tpu.memory_space<vmem>>
        %dma_wait3A_321 = arith.constant 0 : i32
        %dma_wait3A_322 = tpu.memref_slice %arg8[%dma_wait3A_317, %dma_wait3A_321] : memref<4x128xi32, #tpu.memory_space<vmem>> -> memref<1x128xi32, #tpu.memory_space<vmem>>
        %dma_wait3A_323 = tpu.memref_squeeze %dma_wait3A_322 : memref<1x128xi32, #tpu.memory_space<vmem>> -> memref<128xi32, #tpu.memory_space<vmem>>
        %dma_wait3A_324 = arith.constant 0 : i32
        %dma_wait3A_325 = arith.constant 0 : i32
        %dma_wait3A_326 = tpu.memref_slice %arg2[%dma_wait3A_324, %dma_wait3A_325] : memref<10000x16xf32, #tpu.memory_space<hbm>> -> memref<10000x16xf32, #tpu.memory_space<hbm>>
        tpu.wait_indirect_dma semaphore(%arg15 : memref<!tpu.dma_semaphore, #tpu.memory_space<semaphore_mem>>) src(%dma_wait3A_326 : memref<10000x16xf32, #tpu.memory_space<hbm>>) dst(%dma_wait3A_320 : memref<128x16xf32, #tpu.memory_space<vmem>>)
        %dma_wait3A_327 = arith.constant 2 : i32
        %dma_wait3A_328 = arith.constant 256 : i32
        %dma_wait3A_329 = arith.constant 0 : i32
        %dma_wait3A_330 = tpu.memref_slice %arg11[%dma_wait3A_328, %dma_wait3A_329] : memref<512x16xf32, #tpu.memory_space<vmem>> -> memref<128x16xf32, #tpu.memory_space<vmem>>
        %dma_wait3A_331 = arith.constant 0 : i32
        %dma_wait3A_332 = tpu.memref_slice %arg9[%dma_wait3A_327, %dma_wait3A_331] : memref<4x128xi32, #tpu.memory_space<vmem>> -> memref<1x128xi32, #tpu.memory_space<vmem>>
        %dma_wait3A_333 = tpu.memref_squeeze %dma_wait3A_332 : memref<1x128xi32, #tpu.memory_space<vmem>> -> memref<128xi32, #tpu.memory_space<vmem>>
        %dma_wait3A_334 = arith.constant 0 : i32
        %dma_wait3A_335 = arith.constant 0 : i32
        %dma_wait3A_336 = tpu.memref_slice %arg3[%dma_wait3A_334, %dma_wait3A_335] : memref<10000x16xf32, #tpu.memory_space<hbm>> -> memref<10000x16xf32, #tpu.memory_space<hbm>>
        tpu.wait_indirect_dma semaphore(%arg15 : memref<!tpu.dma_semaphore, #tpu.memory_space<semaphore_mem>>) src(%dma_wait3A_336 : memref<10000x16xf32, #tpu.memory_space<hbm>>) dst(%dma_wait3A_330 : memref<128x16xf32, #tpu.memory_space<vmem>>)
        %dma_wait3A_337 = arith.constant 3 : i32
        %dma_wait3A_338 = arith.constant 384 : i32
        %dma_wait3A_339 = arith.constant 0 : i32
        %dma_wait3A_340 = tpu.memref_slice %arg10[%dma_wait3A_338, %dma_wait3A_339] : memref<512x16xf32, #tpu.memory_space<vmem>> -> memref<128x16xf32, #tpu.memory_space<vmem>>
        %dma_wait3A_341 = arith.constant 0 : i32
        %dma_wait3A_342 = tpu.memref_slice %arg8[%dma_wait3A_337, %dma_wait3A_341] : memref<4x128xi32, #tpu.memory_space<vmem>> -> memref<1x128xi32, #tpu.memory_space<vmem>>
        %dma_wait3A_343 = tpu.memref_squeeze %dma_wait3A_342 : memref<1x128xi32, #tpu.memory_space<vmem>> -> memref<128xi32, #tpu.memory_space<vmem>>
        %dma_wait3A_344 = arith.constant 0 : i32
        %dma_wait3A_345 = arith.constant 0 : i32
        %dma_wait3A_346 = tpu.memref_slice %arg2[%dma_wait3A_344, %dma_wait3A_345] : memref<10000x16xf32, #tpu.memory_space<hbm>> -> memref<10000x16xf32, #tpu.memory_space<hbm>>
        tpu.wait_indirect_dma semaphore(%arg15 : memref<!tpu.dma_semaphore, #tpu.memory_space<semaphore_mem>>) src(%dma_wait3A_346 : memref<10000x16xf32, #tpu.memory_space<hbm>>) dst(%dma_wait3A_340 : memref<128x16xf32, #tpu.memory_space<vmem>>)
        %dma_wait3A_347 = arith.constant 3 : i32
        %dma_wait3A_348 = arith.constant 384 : i32
        %dma_wait3A_349 = arith.constant 0 : i32
        %dma_wait3A_350 = tpu.memref_slice %arg11[%dma_wait3A_348, %dma_wait3A_349] : memref<512x16xf32, #tpu.memory_space<vmem>> -> memref<128x16xf32, #tpu.memory_space<vmem>>
        %dma_wait3A_351 = arith.constant 0 : i32
        %dma_wait3A_352 = tpu.memref_slice %arg9[%dma_wait3A_347, %dma_wait3A_351] : memref<4x128xi32, #tpu.memory_space<vmem>> -> memref<1x128xi32, #tpu.memory_space<vmem>>
        %dma_wait3A_353 = tpu.memref_squeeze %dma_wait3A_352 : memref<1x128xi32, #tpu.memory_space<vmem>> -> memref<128xi32, #tpu.memory_space<vmem>>
        %dma_wait3A_354 = arith.constant 0 : i32
        %dma_wait3A_355 = arith.constant 0 : i32
        %dma_wait3A_356 = tpu.memref_slice %arg3[%dma_wait3A_354, %dma_wait3A_355] : memref<10000x16xf32, #tpu.memory_space<hbm>> -> memref<10000x16xf32, #tpu.memory_space<hbm>>
        tpu.wait_indirect_dma semaphore(%arg15 : memref<!tpu.dma_semaphore, #tpu.memory_space<semaphore_mem>>) src(%dma_wait3A_356 : memref<10000x16xf32, #tpu.memory_space<hbm>>) dst(%dma_wait3A_350 : memref<128x16xf32, #tpu.memory_space<vmem>>)
        %dma_wait3A_357 = arith.constant 0 : i32
        %dma_wait3A_358 = tpu.memref_slice %arg4[%mul3A_34, %dma_wait3A_357] : memref<320000x16xf32, #tpu.memory_space<hbm>> -> memref<512x16xf32, #tpu.memory_space<hbm>>
        %dma_wait3A_359 = arith.constant 0 : i32
        %dma_wait3A_360 = tpu.memref_slice %arg4[%mul3A_34, %dma_wait3A_359] : memref<320000x16xf32, #tpu.memory_space<hbm>> -> memref<512x16xf32, #tpu.memory_space<hbm>>
        tpu.wait_dma2 semaphore(%arg16 : memref<!tpu.dma_semaphore, #tpu.memory_space<semaphore_mem>>) src(%dma_wait3A_360 : memref<512x16xf32, #tpu.memory_space<hbm>>) dst(%arg12 : memref<512x16xf32, #tpu.memory_space<vmem>>)
        %parallel_loop3A = arith.constant 0 : i32
        %parallel_loop3A_361 = arith.constant 512 : i32
        %parallel_loop3A_362 = arith.constant 1 : i32
        scf.for %parallel_loop3A_443 = %parallel_loop3A to %parallel_loop3A_361 step %parallel_loop3A_362  : i32 {
          %parallel_loop3A_444 = arith.index_cast %parallel_loop3A_443 : i32 to index
          %parallel_loop3A_445 = arith.constant 0 : index
          %parallel_loop3A_446 = tpu.vector_load %arg10[%parallel_loop3A_444, %parallel_loop3A_445] {strides = array<i32>} : memref<512x16xf32, #tpu.memory_space<vmem>>, vector<1x16xf32>,
          %parallel_loop3A_447 = vector.shape_cast %parallel_loop3A_446 : vector<1x16xf32> to vector<16xf32>
          %parallel_loop3A_448 = arith.index_cast %parallel_loop3A_443 : i32 to index
          %parallel_loop3A_449 = arith.constant 0 : index
          %parallel_loop3A_450 = tpu.vector_load %arg11[%parallel_loop3A_448, %parallel_loop3A_449] {strides = array<i32>} : memref<512x16xf32, #tpu.memory_space<vmem>>, vector<1x16xf32>,
          %parallel_loop3A_451 = vector.shape_cast %parallel_loop3A_450 : vector<1x16xf32> to vector<16xf32>
          %parallel_loop3A_452 = arith.addf %parallel_loop3A_447, %parallel_loop3A_451 : vector<16xf32>
          %parallel_loop3A_453 = arith.index_cast %parallel_loop3A_443 : i32 to index
          %parallel_loop3A_454 = arith.constant 0 : index
          %parallel_loop3A_455 = tpu.vector_load %arg12[%parallel_loop3A_453, %parallel_loop3A_454] {strides = array<i32>} : memref<512x16xf32, #tpu.memory_space<vmem>>, vector<1x16xf32>,
          %parallel_loop3A_456 = vector.shape_cast %parallel_loop3A_455 : vector<1x16xf32> to vector<16xf32>
          %parallel_loop3A_457 = arith.addf %parallel_loop3A_452, %parallel_loop3A_456 : vector<16xf32>
          %parallel_loop3A_458 = arith.constant 0.000000e+00 : f32
          %parallel_loop3A_459 = vector.broadcast %parallel_loop3A_458 : f32 to vector<16xf32>
          %parallel_loop3A_460 = arith.maximumf %parallel_loop3A_457, %parallel_loop3A_459 : vector<16xf32>
          %parallel_loop3A_461 = arith.index_cast %parallel_loop3A_443 : i32 to index
          %parallel_loop3A_462 = arith.constant 0 : index
          %parallel_loop3A_463 = tpu.vector_load %arg13[%parallel_loop3A_461, %parallel_loop3A_462] {strides = array<i32>} : memref<512x16xf32, #tpu.memory_space<vmem>>, vector<1x16xf32>,
          %parallel_loop3A_464 = vector.shape_cast %parallel_loop3A_463 : vector<1x16xf32> to vector<16xf32>
          %parallel_loop3A_465 = vector.shape_cast %parallel_loop3A_460 : vector<16xf32> to vector<1x16xf32>
          tpu.vector_store %arg13[%parallel_loop3A_461, %parallel_loop3A_462], %parallel_loop3A_465 {strides = array<i32>} : memref<512x16xf32, #tpu.memory_space<vmem>>, vector<1x16xf32>,
        } {sc.loop_unroll_factor = 8 : i64, sc.parallel_access}
        %dma_start3A_363 = arith.constant 0 : i32
        %dma_start3A_364 = arith.constant 0 : i32
        %dma_start3A_365 = arith.constant 0 : i32
        %dma_start3A_366 = tpu.memref_slice %arg13[%dma_start3A_364, %dma_start3A_365] : memref<512x16xf32, #tpu.memory_space<vmem>> -> memref<128x16xf32, #tpu.memory_space<vmem>>
        %dma_start3A_367 = arith.constant 0 : i32
        %dma_start3A_368 = tpu.memref_slice %arg9[%dma_start3A_363, %dma_start3A_367] : memref<4x128xi32, #tpu.memory_space<vmem>> -> memref<1x128xi32, #tpu.memory_space<vmem>>
        %dma_start3A_369 = tpu.memref_squeeze %dma_start3A_368 : memref<1x128xi32, #tpu.memory_space<vmem>> -> memref<128xi32, #tpu.memory_space<vmem>>
        %dma_start3A_370 = arith.constant 0 : i32
        %dma_start3A_371 = arith.constant 0 : i32
        %dma_start3A_372 = tpu.memref_slice %arg18[%dma_start3A_370, %dma_start3A_371] : memref<10240x16xf32, #tpu.memory_space<vmem_shared>> -> memref<10240x16xf32, #tpu.memory_space<vmem_shared>>
        tpu.enqueue_indirect_dma source(%dma_start3A_366 : memref<128x16xf32, #tpu.memory_space<vmem>>) target(%dma_start3A_372 : memref<10240x16xf32, #tpu.memory_space<vmem_shared>>) offsets(%dma_start3A_369 : memref<128xi32, #tpu.memory_space<vmem>>) semaphore(%arg17 : memref<!tpu.dma_semaphore, #tpu.memory_space<semaphore_mem>>) {add = true}
        %dma_start3A_373 = arith.constant 1 : i32
        %dma_start3A_374 = arith.constant 128 : i32
        %dma_start3A_375 = arith.constant 0 : i32
        %dma_start3A_376 = tpu.memref_slice %arg13[%dma_start3A_374, %dma_start3A_375] : memref<512x16xf32, #tpu.memory_space<vmem>> -> memref<128x16xf32, #tpu.memory_space<vmem>>
        %dma_start3A_377 = arith.constant 0 : i32
        %dma_start3A_378 = tpu.memref_slice %arg9[%dma_start3A_373, %dma_start3A_377] : memref<4x128xi32, #tpu.memory_space<vmem>> -> memref<1x128xi32, #tpu.memory_space<vmem>>
        %dma_start3A_379 = tpu.memref_squeeze %dma_start3A_378 : memref<1x128xi32, #tpu.memory_space<vmem>> -> memref<128xi32, #tpu.memory_space<vmem>>
        %dma_start3A_380 = arith.constant 0 : i32
        %dma_start3A_381 = arith.constant 0 : i32
        %dma_start3A_382 = tpu.memref_slice %arg18[%dma_start3A_380, %dma_start3A_381] : memref<10240x16xf32, #tpu.memory_space<vmem_shared>> -> memref<10240x16xf32, #tpu.memory_space<vmem_shared>>
        tpu.enqueue_indirect_dma source(%dma_start3A_376 : memref<128x16xf32, #tpu.memory_space<vmem>>) target(%dma_start3A_382 : memref<10240x16xf32, #tpu.memory_space<vmem_shared>>) offsets(%dma_start3A_379 : memref<128xi32, #tpu.memory_space<vmem>>) semaphore(%arg17 : memref<!tpu.dma_semaphore, #tpu.memory_space<semaphore_mem>>) {add = true}
        %dma_start3A_383 = arith.constant 2 : i32
        %dma_start3A_384 = arith.constant 256 : i32
        %dma_start3A_385 = arith.constant 0 : i32
        %dma_start3A_386 = tpu.memref_slice %arg13[%dma_start3A_384, %dma_start3A_385] : memref<512x16xf32, #tpu.memory_space<vmem>> -> memref<128x16xf32, #tpu.memory_space<vmem>>
        %dma_start3A_387 = arith.constant 0 : i32
        %dma_start3A_388 = tpu.memref_slice %arg9[%dma_start3A_383, %dma_start3A_387] : memref<4x128xi32, #tpu.memory_space<vmem>> -> memref<1x128xi32, #tpu.memory_space<vmem>>
        %dma_start3A_389 = tpu.memref_squeeze %dma_start3A_388 : memref<1x128xi32, #tpu.memory_space<vmem>> -> memref<128xi32, #tpu.memory_space<vmem>>
        %dma_start3A_390 = arith.constant 0 : i32
        %dma_start3A_391 = arith.constant 0 : i32
        %dma_start3A_392 = tpu.memref_slice %arg18[%dma_start3A_390, %dma_start3A_391] : memref<10240x16xf32, #tpu.memory_space<vmem_shared>> -> memref<10240x16xf32, #tpu.memory_space<vmem_shared>>
        tpu.enqueue_indirect_dma source(%dma_start3A_386 : memref<128x16xf32, #tpu.memory_space<vmem>>) target(%dma_start3A_392 : memref<10240x16xf32, #tpu.memory_space<vmem_shared>>) offsets(%dma_start3A_389 : memref<128xi32, #tpu.memory_space<vmem>>) semaphore(%arg17 : memref<!tpu.dma_semaphore, #tpu.memory_space<semaphore_mem>>) {add = true}
        %dma_start3A_393 = arith.constant 3 : i32
        %dma_start3A_394 = arith.constant 384 : i32
        %dma_start3A_395 = arith.constant 0 : i32
        %dma_start3A_396 = tpu.memref_slice %arg13[%dma_start3A_394, %dma_start3A_395] : memref<512x16xf32, #tpu.memory_space<vmem>> -> memref<128x16xf32, #tpu.memory_space<vmem>>
        %dma_start3A_397 = arith.constant 0 : i32
        %dma_start3A_398 = tpu.memref_slice %arg9[%dma_start3A_393, %dma_start3A_397] : memref<4x128xi32, #tpu.memory_space<vmem>> -> memref<1x128xi32, #tpu.memory_space<vmem>>
        %dma_start3A_399 = tpu.memref_squeeze %dma_start3A_398 : memref<1x128xi32, #tpu.memory_space<vmem>> -> memref<128xi32, #tpu.memory_space<vmem>>
        %dma_start3A_400 = arith.constant 0 : i32
        %dma_start3A_401 = arith.constant 0 : i32
        %dma_start3A_402 = tpu.memref_slice %arg18[%dma_start3A_400, %dma_start3A_401] : memref<10240x16xf32, #tpu.memory_space<vmem_shared>> -> memref<10240x16xf32, #tpu.memory_space<vmem_shared>>
        tpu.enqueue_indirect_dma source(%dma_start3A_396 : memref<128x16xf32, #tpu.memory_space<vmem>>) target(%dma_start3A_402 : memref<10240x16xf32, #tpu.memory_space<vmem_shared>>) offsets(%dma_start3A_399 : memref<128xi32, #tpu.memory_space<vmem>>) semaphore(%arg17 : memref<!tpu.dma_semaphore, #tpu.memory_space<semaphore_mem>>) {add = true}
        %dma_wait3A_403 = arith.constant 0 : i32
        %dma_wait3A_404 = arith.constant 0 : i32
        %dma_wait3A_405 = arith.constant 0 : i32
        %dma_wait3A_406 = tpu.memref_slice %arg13[%dma_wait3A_404, %dma_wait3A_405] : memref<512x16xf32, #tpu.memory_space<vmem>> -> memref<128x16xf32, #tpu.memory_space<vmem>>
        %dma_wait3A_407 = arith.constant 0 : i32
        %dma_wait3A_408 = tpu.memref_slice %arg9[%dma_wait3A_403, %dma_wait3A_407] : memref<4x128xi32, #tpu.memory_space<vmem>> -> memref<1x128xi32, #tpu.memory_space<vmem>>
        %dma_wait3A_409 = tpu.memref_squeeze %dma_wait3A_408 : memref<1x128xi32, #tpu.memory_space<vmem>> -> memref<128xi32, #tpu.memory_space<vmem>>
        %dma_wait3A_410 = arith.constant 0 : i32
        %dma_wait3A_411 = arith.constant 0 : i32
        %dma_wait3A_412 = tpu.memref_slice %arg18[%dma_wait3A_410, %dma_wait3A_411] : memref<10240x16xf32, #tpu.memory_space<vmem_shared>> -> memref<10240x16xf32, #tpu.memory_space<vmem_shared>>
        tpu.wait_indirect_dma semaphore(%arg17 : memref<!tpu.dma_semaphore, #tpu.memory_space<semaphore_mem>>) src(%dma_wait3A_406 : memref<128x16xf32, #tpu.memory_space<vmem>>) dst(%dma_wait3A_412 : memref<10240x16xf32, #tpu.memory_space<vmem_shared>>)
        %dma_wait3A_413 = arith.constant 1 : i32
        %dma_wait3A_414 = arith.constant 128 : i32
        %dma_wait3A_415 = arith.constant 0 : i32
        %dma_wait3A_416 = tpu.memref_slice %arg13[%dma_wait3A_414, %dma_wait3A_415] : memref<512x16xf32, #tpu.memory_space<vmem>> -> memref<128x16xf32, #tpu.memory_space<vmem>>
        %dma_wait3A_417 = arith.constant 0 : i32
        %dma_wait3A_418 = tpu.memref_slice %arg9[%dma_wait3A_413, %dma_wait3A_417] : memref<4x128xi32, #tpu.memory_space<vmem>> -> memref<1x128xi32, #tpu.memory_space<vmem>>
        %dma_wait3A_419 = tpu.memref_squeeze %dma_wait3A_418 : memref<1x128xi32, #tpu.memory_space<vmem>> -> memref<128xi32, #tpu.memory_space<vmem>>
        %dma_wait3A_420 = arith.constant 0 : i32
        %dma_wait3A_421 = arith.constant 0 : i32
        %dma_wait3A_422 = tpu.memref_slice %arg18[%dma_wait3A_420, %dma_wait3A_421] : memref<10240x16xf32, #tpu.memory_space<vmem_shared>> -> memref<10240x16xf32, #tpu.memory_space<vmem_shared>>
        tpu.wait_indirect_dma semaphore(%arg17 : memref<!tpu.dma_semaphore, #tpu.memory_space<semaphore_mem>>) src(%dma_wait3A_416 : memref<128x16xf32, #tpu.memory_space<vmem>>) dst(%dma_wait3A_422 : memref<10240x16xf32, #tpu.memory_space<vmem_shared>>)
        %dma_wait3A_423 = arith.constant 2 : i32
        %dma_wait3A_424 = arith.constant 256 : i32
        %dma_wait3A_425 = arith.constant 0 : i32
        %dma_wait3A_426 = tpu.memref_slice %arg13[%dma_wait3A_424, %dma_wait3A_425] : memref<512x16xf32, #tpu.memory_space<vmem>> -> memref<128x16xf32, #tpu.memory_space<vmem>>
        %dma_wait3A_427 = arith.constant 0 : i32
        %dma_wait3A_428 = tpu.memref_slice %arg9[%dma_wait3A_423, %dma_wait3A_427] : memref<4x128xi32, #tpu.memory_space<vmem>> -> memref<1x128xi32, #tpu.memory_space<vmem>>
        %dma_wait3A_429 = tpu.memref_squeeze %dma_wait3A_428 : memref<1x128xi32, #tpu.memory_space<vmem>> -> memref<128xi32, #tpu.memory_space<vmem>>
        %dma_wait3A_430 = arith.constant 0 : i32
        %dma_wait3A_431 = arith.constant 0 : i32
        %dma_wait3A_432 = tpu.memref_slice %arg18[%dma_wait3A_430, %dma_wait3A_431] : memref<10240x16xf32, #tpu.memory_space<vmem_shared>> -> memref<10240x16xf32, #tpu.memory_space<vmem_shared>>
        tpu.wait_indirect_dma semaphore(%arg17 : memref<!tpu.dma_semaphore, #tpu.memory_space<semaphore_mem>>) src(%dma_wait3A_426 : memref<128x16xf32, #tpu.memory_space<vmem>>) dst(%dma_wait3A_432 : memref<10240x16xf32, #tpu.memory_space<vmem_shared>>)
        %dma_wait3A_433 = arith.constant 3 : i32
        %dma_wait3A_434 = arith.constant 384 : i32
        %dma_wait3A_435 = arith.constant 0 : i32
        %dma_wait3A_436 = tpu.memref_slice %arg13[%dma_wait3A_434, %dma_wait3A_435] : memref<512x16xf32, #tpu.memory_space<vmem>> -> memref<128x16xf32, #tpu.memory_space<vmem>>
        %dma_wait3A_437 = arith.constant 0 : i32
        %dma_wait3A_438 = tpu.memref_slice %arg9[%dma_wait3A_433, %dma_wait3A_437] : memref<4x128xi32, #tpu.memory_space<vmem>> -> memref<1x128xi32, #tpu.memory_space<vmem>>
        %dma_wait3A_439 = tpu.memref_squeeze %dma_wait3A_438 : memref<1x128xi32, #tpu.memory_space<vmem>> -> memref<128xi32, #tpu.memory_space<vmem>>
        %dma_wait3A_440 = arith.constant 0 : i32
        %dma_wait3A_441 = arith.constant 0 : i32
        %dma_wait3A_442 = tpu.memref_slice %arg18[%dma_wait3A_440, %dma_wait3A_441] : memref<10240x16xf32, #tpu.memory_space<vmem_shared>> -> memref<10240x16xf32, #tpu.memory_space<vmem_shared>>
        tpu.wait_indirect_dma semaphore(%arg17 : memref<!tpu.dma_semaphore, #tpu.memory_space<semaphore_mem>>) src(%dma_wait3A_436 : memref<128x16xf32, #tpu.memory_space<vmem>>) dst(%dma_wait3A_442 : memref<10240x16xf32, #tpu.memory_space<vmem_shared>>)
      } else {
      }
      %scan3A_32 = arith.constant 0 : i32
      scf.yield %scan3A_32 : i32
    }
    %scan3A_19 = arith.constant 20 : i32
    %barrier3A_20 = arith.constant 0 : index
    tpu.barrier barrier_id(%barrier3A_20)
    %mul3A_21 = arith.constant 640 : i32
    %mul3A_22 = arith.muli %arg1, %mul3A_21 : i32
    %mul3A_23 = arith.constant 640 : i32
    %mul3A_24 = arith.muli %arg1, %mul3A_23 : i32
    "tpu.region"() ({
      %run_scoped3A = tpu.sem_alloc : memref<!tpu.dma_semaphore, #tpu.memory_space<semaphore_mem>>
      %dma_start3A = arith.constant 0 : i32
      %dma_start3A_25 = tpu.memref_slice %arg7[%arg0, %mul3A_24, %dma_start3A] : memref<2x10240x16xf32, #tpu.memory_space<hbm>> -> memref<1x640x16xf32, #tpu.memory_space<hbm>>
      %dma_start3A_26 = tpu.memref_squeeze %dma_start3A_25 : memref<1x640x16xf32, #tpu.memory_space<hbm>> -> memref<640x16xf32, #tpu.memory_space<hbm>>
      %dma_start3A_27 = arith.constant 0 : i32
      %dma_start3A_28 = tpu.memref_slice %arg18[%mul3A_22, %dma_start3A_27] : memref<10240x16xf32, #tpu.memory_space<vmem_shared>> -> memref<640x16xf32, #tpu.memory_space<vmem_shared>>
      tpu.enqueue_dma source(%dma_start3A_28 : memref<640x16xf32, #tpu.memory_space<vmem_shared>>) target(%dma_start3A_26 : memref<640x16xf32, #tpu.memory_space<hbm>>) target_semaphore(%run_scoped3A : memref<!tpu.dma_semaphore, #tpu.memory_space<semaphore_mem>>)
      %dma_wait3A = arith.constant 0 : i32
      %dma_wait3A_29 = tpu.memref_slice %arg7[%arg0, %mul3A_24, %dma_wait3A] : memref<2x10240x16xf32, #tpu.memory_space<hbm>> -> memref<1x640x16xf32, #tpu.memory_space<hbm>>
      %dma_wait3A_30 = tpu.memref_squeeze %dma_wait3A_29 : memref<1x640x16xf32, #tpu.memory_space<hbm>> -> memref<640x16xf32, #tpu.memory_space<hbm>>
      %dma_wait3A_31 = arith.constant 0 : i32
      %dma_wait3A_32 = tpu.memref_slice %arg18[%mul3A_22, %dma_wait3A_31] : memref<10240x16xf32, #tpu.memory_space<vmem_shared>> -> memref<640x16xf32, #tpu.memory_space<vmem_shared>>
      tpu.wait_dma2 semaphore(%run_scoped3A : memref<!tpu.dma_semaphore, #tpu.memory_space<semaphore_mem>>) src(%dma_wait3A_32 : memref<640x16xf32, #tpu.memory_space<vmem_shared>>) dst(%dma_wait3A_30 : memref<640x16xf32, #tpu.memory_space<hbm>>)
      tpu.yield
    }) : () -> ()
    return
  }
}

module attributes {stable_mosaic.version = 14 : i64} {
  func.func @_proj_body(%arg0: i32, %arg1: memref<10000x128xf32, #tpu.memory_space<vmem>>, %arg2: memref<1024x128xf32, #tpu.memory_space<vmem>>, %arg3: memref<1024x128xf32, #tpu.memory_space<vmem>>, %arg4: memref<1250x128xf32, #tpu.memory_space<vmem>>, %arg5: memref<1250x128xf32, #tpu.memory_space<vmem>>) attributes {dimension_semantics = [#tpu.dimension_semantics<arbitrary>], iteration_bounds = array<i64: 1>, scalar_prefetch = 0 : i64, scratch_operands = 0 : i64, tpu.core_type = #tpu.core_type<tc>, window_params = [{pipeline_mode = #tpu.pipeline_mode<synchronous>, transform_indices = @transform_0, window_bounds = array<i64: 10000, 128>}, {pipeline_mode = #tpu.pipeline_mode<synchronous>, transform_indices = @transform_1, window_bounds = array<i64: 1024, 128>}, {pipeline_mode = #tpu.pipeline_mode<synchronous>, transform_indices = @transform_2, window_bounds = array<i64: 1024, 128>}, {pipeline_mode = #tpu.pipeline_mode<synchronous>, transform_indices = @transform_3, window_bounds = array<i64: 1250, 128>}, {pipeline_mode = #tpu.pipeline_mode<synchronous>, transform_indices = @transform_4, window_bounds = array<i64: 1250, 128>}]} {
    %get3A = arith.constant 0 : index
    %get3A_0 = arith.constant 0 : index
    %get3A_1 = vector.load %arg1[%get3A, %get3A_0] : memref<10000x128xf32, #tpu.memory_space<vmem>>, vector<10000x128xf32>
    %reshape3A = vector.shape_cast %get3A_1 : vector<10000x128xf32> to vector<1250x1024xf32>
    %get3A_2 = arith.constant 0 : index
    %get3A_3 = arith.constant 0 : index
    %get3A_4 = vector.load %arg2[%get3A_2, %get3A_3] : memref<1024x128xf32, #tpu.memory_space<vmem>>, vector<1024x128xf32>
    %dot_general3A = arith.constant dense<0.000000e+00> : vector<1250x128xf32>
    %dot_general3A_5 = tpu.matmul %reshape3A, %get3A_4, %dot_general3A {dimension_numbers = #tpu.dot_dimension_numbers<[1], [0], [0], [1], [0, 0, 1, 1], [], []>, transpose_lhs_hint = false} : vector<1250x1024xf32>, vector<1024x128xf32>, vector<1250x128xf32> -> vector<1250x128xf32>
    %swap3A = arith.constant 0 : index
    %swap3A_6 = arith.constant 0 : index
    %swap3A_7 = vector.load %arg4[%swap3A, %swap3A_6] : memref<1250x128xf32, #tpu.memory_space<vmem>>, vector<1250x128xf32>
    tpu.vector_store %arg4[%swap3A, %swap3A_6], %dot_general3A_5 {strides = array<i32>} : memref<1250x128xf32, #tpu.memory_space<vmem>>, vector<1250x128xf32>,
    %get3A_8 = arith.constant 0 : index
    %get3A_9 = arith.constant 0 : index
    %get3A_10 = vector.load %arg3[%get3A_8, %get3A_9] : memref<1024x128xf32, #tpu.memory_space<vmem>>, vector<1024x128xf32>
    %dot_general3A_11 = arith.constant dense<0.000000e+00> : vector<1250x128xf32>
    %dot_general3A_12 = tpu.matmul %reshape3A, %get3A_10, %dot_general3A_11 {dimension_numbers = #tpu.dot_dimension_numbers<[1], [0], [0], [1], [0, 0, 1, 1], [], []>, transpose_lhs_hint = false} : vector<1250x1024xf32>, vector<1024x128xf32>, vector<1250x128xf32> -> vector<1250x128xf32>
    %swap3A_13 = arith.constant 0 : index
    %swap3A_14 = arith.constant 0 : index
    %swap3A_15 = vector.load %arg5[%swap3A_13, %swap3A_14] : memref<1250x128xf32, #tpu.memory_space<vmem>>, vector<1250x128xf32>
    tpu.vector_store %arg5[%swap3A_13, %swap3A_14], %dot_general3A_12 {strides = array<i32>} : memref<1250x128xf32, #tpu.memory_space<vmem>>, vector<1250x128xf32>,
    return
  }
  func.func @transform_0(%arg0: i32) -> (i32, i32) {
    %c0_i32 = arith.constant 0 : i32
    %c0_i32_0 = arith.constant 0 : i32
    %c0_i32_1 = arith.constant 0 : i32
    return %c0_i32, %c0_i32_0 : i32, i32
  }
  func.func @transform_1(%arg0: i32) -> (i32, i32) {
    %c0_i32 = arith.constant 0 : i32
    %c0_i32_0 = arith.constant 0 : i32
    %c0_i32_1 = arith.constant 0 : i32
    return %c0_i32, %c0_i32_0 : i32, i32
  }
  func.func @transform_2(%arg0: i32) -> (i32, i32) {
    %c0_i32 = arith.constant 0 : i32
    %c0_i32_0 = arith.constant 0 : i32
    %c0_i32_1 = arith.constant 0 : i32
    return %c0_i32, %c0_i32_0 : i32, i32
  }
  func.func @transform_3(%arg0: i32) -> (i32, i32) {
    %c0_i32 = arith.constant 0 : i32
    %c0_i32_0 = arith.constant 0 : i32
    %c0_i32_1 = arith.constant 0 : i32
    return %c0_i32, %c0_i32_0 : i32, i32
  }
  func.func @transform_4(%arg0: i32) -> (i32, i32) {
    %c0_i32 = arith.constant 0 : i32
    %c0_i32_0 = arith.constant 0 : i32
    %c0_i32_1 = arith.constant 0 : i32
    return %c0_i32, %c0_i32_0 : i32, i32
  }
}

module attributes {stable_mosaic.version = 14 : i64} {
  func.func @_edge_pre_body(%arg0: i32, %arg1: memref<2000x128xf32, #tpu.memory_space<vmem>>, %arg2: memref<128x128xf32, #tpu.memory_space<vmem>>, %arg3: memref<1x128xf32, #tpu.memory_space<vmem>>, %arg4: memref<2000x128xf32, #tpu.memory_space<vmem>>) attributes {dimension_semantics = [#tpu.dimension_semantics<arbitrary>], iteration_bounds = array<i64: 20>, scalar_prefetch = 0 : i64, scratch_operands = 0 : i64, tpu.core_type = #tpu.core_type<tc>, window_params = [{transform_indices = @transform_0, window_bounds = array<i64: 2000, 128>}, {pipeline_mode = #tpu.pipeline_mode<synchronous>, transform_indices = @transform_1, window_bounds = array<i64: 128, 128>}, {pipeline_mode = #tpu.pipeline_mode<synchronous>, transform_indices = @transform_2, window_bounds = array<i64: 1, 128>}, {transform_indices = @transform_3, window_bounds = array<i64: 2000, 128>}]} {
    %get3A = arith.constant 0 : index
    %get3A_0 = arith.constant 0 : index
    %get3A_1 = vector.load %arg1[%get3A, %get3A_0] : memref<2000x128xf32, #tpu.memory_space<vmem>>, vector<2000x128xf32>
    %get3A_2 = arith.constant 0 : index
    %get3A_3 = arith.constant 0 : index
    %get3A_4 = vector.load %arg2[%get3A_2, %get3A_3] : memref<128x128xf32, #tpu.memory_space<vmem>>, vector<128x128xf32>
    %dot_general3A = arith.constant dense<0.000000e+00> : vector<2000x128xf32>
    %dot_general3A_5 = tpu.matmul %get3A_1, %get3A_4, %dot_general3A {dimension_numbers = #tpu.dot_dimension_numbers<[1], [0], [0], [1], [0, 0, 1, 1], [], []>, transpose_lhs_hint = false} : vector<2000x128xf32>, vector<128x128xf32>, vector<2000x128xf32> -> vector<2000x128xf32>
    %get3A_6 = arith.constant 0 : index
    %get3A_7 = arith.constant 0 : index
    %get3A_8 = vector.load %arg3[%get3A_6, %get3A_7] : memref<1x128xf32, #tpu.memory_space<vmem>>, vector<1x128xf32>
    %add3A = vector.broadcast %get3A_8 : vector<1x128xf32> to vector<2000x128xf32>
    %add3A_9 = arith.addf %dot_general3A_5, %add3A : vector<2000x128xf32>
    %swap3A = arith.constant 0 : index
    %swap3A_10 = arith.constant 0 : index
    %swap3A_11 = vector.load %arg4[%swap3A, %swap3A_10] : memref<2000x128xf32, #tpu.memory_space<vmem>>, vector<2000x128xf32>
    tpu.vector_store %arg4[%swap3A, %swap3A_10], %add3A_9 {strides = array<i32>} : memref<2000x128xf32, #tpu.memory_space<vmem>>, vector<2000x128xf32>,
    return
  }
  func.func @transform_0(%arg0: i32) -> (i32, i32) {
    %c0_i32 = arith.constant 0 : i32
    %c0_i32_0 = arith.constant 0 : i32
    return %arg0, %c0_i32 : i32, i32
  }
  func.func @transform_1(%arg0: i32) -> (i32, i32) {
    %c0_i32 = arith.constant 0 : i32
    %c0_i32_0 = arith.constant 0 : i32
    %c0_i32_1 = arith.constant 0 : i32
    return %c0_i32, %c0_i32_0 : i32, i32
  }
  func.func @transform_2(%arg0: i32) -> (i32, i32) {
    %c0_i32 = arith.constant 0 : i32
    %c0_i32_0 = arith.constant 0 : i32
    %c0_i32_1 = arith.constant 0 : i32
    return %c0_i32, %c0_i32_0 : i32, i32
  }
  func.func @transform_3(%arg0: i32) -> (i32, i32) {
    %c0_i32 = arith.constant 0 : i32
    %c0_i32_0 = arith.constant 0 : i32
    return %arg0, %c0_i32 : i32, i32
  }
}

module attributes {stable_mosaic.version = 14 : i64} {
  func.func @_post_body(%arg0: i32, %arg1: memref<2x128x128xf32, #tpu.memory_space<vmem>>, %arg2: memref<8x128xi32, #tpu.memory_space<vmem>>, %arg3: memref<128x128xf32, #tpu.memory_space<vmem>>, %arg4: memref<1x128xf32, #tpu.memory_space<vmem>>, %arg5: memref<128x128xf32, #tpu.memory_space<vmem>>, %arg6: memref<1x128xf32, #tpu.memory_space<vmem>>, %arg7: memref<128x128xf32, #tpu.memory_space<vmem>>, %arg8: memref<1x128xf32, #tpu.memory_space<vmem>>, %arg9: memref<16x16xf32, #tpu.memory_space<vmem>>, %arg10: memref<1x16xf32, #tpu.memory_space<vmem>>, %arg11: memref<16x16xf32, #tpu.memory_space<vmem>>, %arg12: memref<1x16xf32, #tpu.memory_space<vmem>>, %arg13: memref<64x16xf32, #tpu.memory_space<vmem>>, %arg14: memref<64x16xf32, #tpu.memory_space<vmem>>) attributes {dimension_semantics = [#tpu.dimension_semantics<arbitrary>], iteration_bounds = array<i64: 10>, scalar_prefetch = 0 : i64, scratch_operands = 1 : i64, tpu.core_type = #tpu.core_type<tc>, window_params = [{transform_indices = @transform_0, window_bounds = array<i64: 2, 128, 128>}, {transform_indices = @transform_1, window_bounds = array<i64: 8, 128>}, {pipeline_mode = #tpu.pipeline_mode<synchronous>, transform_indices = @transform_2, window_bounds = array<i64: 128, 128>}, {pipeline_mode = #tpu.pipeline_mode<synchronous>, transform_indices = @transform_3, window_bounds = array<i64: 1, 128>}, {pipeline_mode = #tpu.pipeline_mode<synchronous>, transform_indices = @transform_4, window_bounds = array<i64: 128, 128>}, {pipeline_mode = #tpu.pipeline_mode<synchronous>, transform_indices = @transform_5, window_bounds = array<i64: 1, 128>}, {pipeline_mode = #tpu.pipeline_mode<synchronous>, transform_indices = @transform_6, window_bounds = array<i64: 128, 128>}, {pipeline_mode = #tpu.pipeline_mode<synchronous>, transform_indices = @transform_7, window_bounds = array<i64: 1, 128>}, {pipeline_mode = #tpu.pipeline_mode<synchronous>, transform_indices = @transform_8, window_bounds = array<i64: 16, 16>}, {pipeline_mode = #tpu.pipeline_mode<synchronous>, transform_indices = @transform_9, window_bounds = array<i64: 1, 16>}, {pipeline_mode = #tpu.pipeline_mode<synchronous>, transform_indices = @transform_10, window_bounds = array<i64: 16, 16>}, {pipeline_mode = #tpu.pipeline_mode<synchronous>, transform_indices = @transform_11, window_bounds = array<i64: 1, 16>}, {pipeline_mode = #tpu.pipeline_mode<synchronous>, transform_indices = @transform_12, window_bounds = array<i64: 64, 16>}]} {
    %get3A = arith.constant 0 : index
    %get3A_0 = arith.constant 0 : index
    %get3A_1 = arith.constant 0 : index
    %get3A_2 = vector.load %arg1[%get3A, %get3A_0, %get3A_1] : memref<2x128x128xf32, #tpu.memory_space<vmem>>, vector<1x128x128xf32>
    %get3A_3 = vector.shape_cast %get3A_2 : vector<1x128x128xf32> to vector<128x128xf32>
    %get3A_4 = arith.constant 1 : index
    %get3A_5 = arith.constant 0 : index
    %get3A_6 = arith.constant 0 : index
    %get3A_7 = vector.load %arg1[%get3A_4, %get3A_5, %get3A_6] : memref<2x128x128xf32, #tpu.memory_space<vmem>>, vector<1x128x128xf32>
    %get3A_8 = vector.shape_cast %get3A_7 : vector<1x128x128xf32> to vector<128x128xf32>
    %add3A = arith.addf %get3A_3, %get3A_8 : vector<128x128xf32>
    %get3A_9 = arith.constant 0 : index
    %get3A_10 = arith.constant 0 : index
    %get3A_11 = vector.load %arg3[%get3A_9, %get3A_10] : memref<128x128xf32, #tpu.memory_space<vmem>>, vector<128x128xf32>
    %dot_general3A = arith.constant dense<0.000000e+00> : vector<128x128xf32>
    %dot_general3A_12 = tpu.matmul %add3A, %get3A_11, %dot_general3A {dimension_numbers = #tpu.dot_dimension_numbers<[1], [0], [0], [1], [0, 0, 1, 1], [], []>, transpose_lhs_hint = false} : vector<128x128xf32>, vector<128x128xf32>, vector<128x128xf32> -> vector<128x128xf32>
    %get3A_13 = arith.constant 0 : index
    %get3A_14 = arith.constant 0 : index
    %get3A_15 = vector.load %arg4[%get3A_13, %get3A_14] : memref<1x128xf32, #tpu.memory_space<vmem>>, vector<1x128xf32>
    %add3A_16 = vector.broadcast %get3A_15 : vector<1x128xf32> to vector<128x128xf32>
    %add3A_17 = arith.addf %dot_general3A_12, %add3A_16 : vector<128x128xf32>
    %max3A = arith.constant 0.000000e+00 : f32
    %max3A_18 = vector.broadcast %max3A : f32 to vector<128x128xf32>
    %max3A_19 = arith.maximumf %add3A_17, %max3A_18 : vector<128x128xf32>
    %get3A_20 = arith.constant 0 : index
    %get3A_21 = arith.constant 0 : index
    %get3A_22 = vector.load %arg5[%get3A_20, %get3A_21] : memref<128x128xf32, #tpu.memory_space<vmem>>, vector<128x128xf32>
    %dot_general3A_23 = arith.constant dense<0.000000e+00> : vector<128x128xf32>
    %dot_general3A_24 = tpu.matmul %max3A_19, %get3A_22, %dot_general3A_23 {dimension_numbers = #tpu.dot_dimension_numbers<[1], [0], [0], [1], [0, 0, 1, 1], [], []>, transpose_lhs_hint = false} : vector<128x128xf32>, vector<128x128xf32>, vector<128x128xf32> -> vector<128x128xf32>
    %get3A_25 = arith.constant 0 : index
    %get3A_26 = arith.constant 0 : index
    %get3A_27 = vector.load %arg6[%get3A_25, %get3A_26] : memref<1x128xf32, #tpu.memory_space<vmem>>, vector<1x128xf32>
    %add3A_28 = vector.broadcast %get3A_27 : vector<1x128xf32> to vector<128x128xf32>
    %add3A_29 = arith.addf %dot_general3A_24, %add3A_28 : vector<128x128xf32>
    %max3A_30 = arith.constant 0.000000e+00 : f32
    %max3A_31 = vector.broadcast %max3A_30 : f32 to vector<128x128xf32>
    %max3A_32 = arith.maximumf %add3A_29, %max3A_31 : vector<128x128xf32>
    %get3A_33 = arith.constant 0 : index
    %get3A_34 = arith.constant 0 : index
    %get3A_35 = vector.load %arg7[%get3A_33, %get3A_34] : memref<128x128xf32, #tpu.memory_space<vmem>>, vector<128x128xf32>
    %dot_general3A_36 = arith.constant dense<0.000000e+00> : vector<128x128xf32>
    %dot_general3A_37 = tpu.matmul %max3A_32, %get3A_35, %dot_general3A_36 {dimension_numbers = #tpu.dot_dimension_numbers<[1], [0], [0], [1], [0, 0, 1, 1], [], []>, transpose_lhs_hint = false} : vector<128x128xf32>, vector<128x128xf32>, vector<128x128xf32> -> vector<128x128xf32>
    %get3A_38 = arith.constant 0 : index
    %get3A_39 = arith.constant 0 : index
    %get3A_40 = vector.load %arg8[%get3A_38, %get3A_39] : memref<1x128xf32, #tpu.memory_space<vmem>>, vector<1x128xf32>
    %add3A_41 = vector.broadcast %get3A_40 : vector<1x128xf32> to vector<128x128xf32>
    %add3A_42 = arith.addf %dot_general3A_37, %add3A_41 : vector<128x128xf32>
    %max3A_43 = arith.constant 0.000000e+00 : f32
    %max3A_44 = vector.broadcast %max3A_43 : f32 to vector<128x128xf32>
    %max3A_45 = arith.maximumf %add3A_42, %max3A_44 : vector<128x128xf32>
    %broadcast_in_dim3A = arith.constant 0.000000e+00 : f32
    %broadcast_in_dim3A_46 = vector.broadcast %broadcast_in_dim3A : f32 to vector<64x16xf32>
    %iota3A = tpu.iota {dimensions = array<i32: 1>} : vector<128x64xi32>
    %get3A_47 = arith.constant 0 : index
    %get3A_48 = arith.constant 0 : index
    %get3A_49 = vector.load %arg2[%get3A_47, %get3A_48] : memref<8x128xi32, #tpu.memory_space<vmem>>, vector<1x128xi32>
    %get3A_50 = vector.shape_cast %get3A_49 : vector<1x128xi32> to vector<128xi32>
    %broadcast_in_dim3A_51 = vector.shape_cast %get3A_50 : vector<128xi32> to vector<128x1xi32>
    %eq3A = vector.broadcast %broadcast_in_dim3A_51 : vector<128x1xi32> to vector<128x64xi32>
    %eq3A_52 = arith.cmpi eq, %eq3A, %iota3A : vector<128x64xi32>
    %convert_element_type3A = arith.extui %eq3A_52 : vector<128x64xi1> to vector<128x64xi32>
    %convert_element_type3A_53 = arith.sitofp %convert_element_type3A : vector<128x64xi32> to vector<128x64xf32>
    %dot_general3A_54 = arith.constant dense<0.000000e+00> : vector<64x128xf32>
    %dot_general3A_55 = tpu.matmul %convert_element_type3A_53, %max3A_45, %dot_general3A_54 {dimension_numbers = #tpu.dot_dimension_numbers<[0], [0], [1], [1], [0, 1, 1, 1], [], []>, transpose_lhs_hint = false} : vector<128x64xf32>, vector<128x128xf32>, vector<64x128xf32> -> vector<64x128xf32>
    %slice3A = vector.extract_strided_slice %dot_general3A_55 {offsets = [0, 0], sizes = [64, 16], strides = [1, 1]} : vector<64x128xf32> to vector<64x16xf32>
    %add3A_56 = arith.addf %broadcast_in_dim3A_46, %slice3A : vector<64x16xf32>
    %get3A_57 = arith.constant 1 : index
    %get3A_58 = arith.constant 0 : index
    %get3A_59 = vector.load %arg2[%get3A_57, %get3A_58] : memref<8x128xi32, #tpu.memory_space<vmem>>, vector<1x128xi32>
    %get3A_60 = vector.shape_cast %get3A_59 : vector<1x128xi32> to vector<128xi32>
    %broadcast_in_dim3A_61 = vector.shape_cast %get3A_60 : vector<128xi32> to vector<128x1xi32>
    %eq3A_62 = vector.broadcast %broadcast_in_dim3A_61 : vector<128x1xi32> to vector<128x64xi32>
    %eq3A_63 = arith.cmpi eq, %eq3A_62, %iota3A : vector<128x64xi32>
    %convert_element_type3A_64 = arith.extui %eq3A_63 : vector<128x64xi1> to vector<128x64xi32>
    %convert_element_type3A_65 = arith.sitofp %convert_element_type3A_64 : vector<128x64xi32> to vector<128x64xf32>
    %dot_general3A_66 = arith.constant dense<0.000000e+00> : vector<64x128xf32>
    %dot_general3A_67 = tpu.matmul %convert_element_type3A_65, %max3A_45, %dot_general3A_66 {dimension_numbers = #tpu.dot_dimension_numbers<[0], [0], [1], [1], [0, 1, 1, 1], [], []>, transpose_lhs_hint = false} : vector<128x64xf32>, vector<128x128xf32>, vector<64x128xf32> -> vector<64x128xf32>
    %slice3A_68 = vector.extract_strided_slice %dot_general3A_67 {offsets = [0, 16], sizes = [64, 16], strides = [1, 1]} : vector<64x128xf32> to vector<64x16xf32>
    %add3A_69 = arith.addf %add3A_56, %slice3A_68 : vector<64x16xf32>
    %get3A_70 = arith.constant 2 : index
    %get3A_71 = arith.constant 0 : index
    %get3A_72 = vector.load %arg2[%get3A_70, %get3A_71] : memref<8x128xi32, #tpu.memory_space<vmem>>, vector<1x128xi32>
    %get3A_73 = vector.shape_cast %get3A_72 : vector<1x128xi32> to vector<128xi32>
    %broadcast_in_dim3A_74 = vector.shape_cast %get3A_73 : vector<128xi32> to vector<128x1xi32>
    %eq3A_75 = vector.broadcast %broadcast_in_dim3A_74 : vector<128x1xi32> to vector<128x64xi32>
    %eq3A_76 = arith.cmpi eq, %eq3A_75, %iota3A : vector<128x64xi32>
    %convert_element_type3A_77 = arith.extui %eq3A_76 : vector<128x64xi1> to vector<128x64xi32>
    %convert_element_type3A_78 = arith.sitofp %convert_element_type3A_77 : vector<128x64xi32> to vector<128x64xf32>
    %dot_general3A_79 = arith.constant dense<0.000000e+00> : vector<64x128xf32>
    %dot_general3A_80 = tpu.matmul %convert_element_type3A_78, %max3A_45, %dot_general3A_79 {dimension_numbers = #tpu.dot_dimension_numbers<[0], [0], [1], [1], [0, 1, 1, 1], [], []>, transpose_lhs_hint = false} : vector<128x64xf32>, vector<128x128xf32>, vector<64x128xf32> -> vector<64x128xf32>
    %slice3A_81 = vector.extract_strided_slice %dot_general3A_80 {offsets = [0, 32], sizes = [64, 16], strides = [1, 1]} : vector<64x128xf32> to vector<64x16xf32>
    %add3A_82 = arith.addf %add3A_69, %slice3A_81 : vector<64x16xf32>
    %get3A_83 = arith.constant 3 : index
    %get3A_84 = arith.constant 0 : index
    %get3A_85 = vector.load %arg2[%get3A_83, %get3A_84] : memref<8x128xi32, #tpu.memory_space<vmem>>, vector<1x128xi32>
    %get3A_86 = vector.shape_cast %get3A_85 : vector<1x128xi32> to vector<128xi32>
    %broadcast_in_dim3A_87 = vector.shape_cast %get3A_86 : vector<128xi32> to vector<128x1xi32>
    %eq3A_88 = vector.broadcast %broadcast_in_dim3A_87 : vector<128x1xi32> to vector<128x64xi32>
    %eq3A_89 = arith.cmpi eq, %eq3A_88, %iota3A : vector<128x64xi32>
    %convert_element_type3A_90 = arith.extui %eq3A_89 : vector<128x64xi1> to vector<128x64xi32>
    %convert_element_type3A_91 = arith.sitofp %convert_element_type3A_90 : vector<128x64xi32> to vector<128x64xf32>
    %dot_general3A_92 = arith.constant dense<0.000000e+00> : vector<64x128xf32>
    %dot_general3A_93 = tpu.matmul %convert_element_type3A_91, %max3A_45, %dot_general3A_92 {dimension_numbers = #tpu.dot_dimension_numbers<[0], [0], [1], [1], [0, 1, 1, 1], [], []>, transpose_lhs_hint = false} : vector<128x64xf32>, vector<128x128xf32>, vector<64x128xf32> -> vector<64x128xf32>
    %slice3A_94 = vector.extract_strided_slice %dot_general3A_93 {offsets = [0, 48], sizes = [64, 16], strides = [1, 1]} : vector<64x128xf32> to vector<64x16xf32>
    %add3A_95 = arith.addf %add3A_82, %slice3A_94 : vector<64x16xf32>
    %get3A_96 = arith.constant 4 : index
    %get3A_97 = arith.constant 0 : index
    %get3A_98 = vector.load %arg2[%get3A_96, %get3A_97] : memref<8x128xi32, #tpu.memory_space<vmem>>, vector<1x128xi32>
    %get3A_99 = vector.shape_cast %get3A_98 : vector<1x128xi32> to vector<128xi32>
    %broadcast_in_dim3A_100 = vector.shape_cast %get3A_99 : vector<128xi32> to vector<128x1xi32>
    %eq3A_101 = vector.broadcast %broadcast_in_dim3A_100 : vector<128x1xi32> to vector<128x64xi32>
    %eq3A_102 = arith.cmpi eq, %eq3A_101, %iota3A : vector<128x64xi32>
    %convert_element_type3A_103 = arith.extui %eq3A_102 : vector<128x64xi1> to vector<128x64xi32>
    %convert_element_type3A_104 = arith.sitofp %convert_element_type3A_103 : vector<128x64xi32> to vector<128x64xf32>
    %dot_general3A_105 = arith.constant dense<0.000000e+00> : vector<64x128xf32>
    %dot_general3A_106 = tpu.matmul %convert_element_type3A_104, %max3A_45, %dot_general3A_105 {dimension_numbers = #tpu.dot_dimension_numbers<[0], [0], [1], [1], [0, 1, 1, 1], [], []>, transpose_lhs_hint = false} : vector<128x64xf32>, vector<128x128xf32>, vector<64x128xf32> -> vector<64x128xf32>
    %slice3A_107 = vector.extract_strided_slice %dot_general3A_106 {offsets = [0, 64], sizes = [64, 16], strides = [1, 1]} : vector<64x128xf32> to vector<64x16xf32>
    %add3A_108 = arith.addf %add3A_95, %slice3A_107 : vector<64x16xf32>
    %get3A_109 = arith.constant 5 : index
    %get3A_110 = arith.constant 0 : index
    %get3A_111 = vector.load %arg2[%get3A_109, %get3A_110] : memref<8x128xi32, #tpu.memory_space<vmem>>, vector<1x128xi32>
    %get3A_112 = vector.shape_cast %get3A_111 : vector<1x128xi32> to vector<128xi32>
    %broadcast_in_dim3A_113 = vector.shape_cast %get3A_112 : vector<128xi32> to vector<128x1xi32>
    %eq3A_114 = vector.broadcast %broadcast_in_dim3A_113 : vector<128x1xi32> to vector<128x64xi32>
    %eq3A_115 = arith.cmpi eq, %eq3A_114, %iota3A : vector<128x64xi32>
    %convert_element_type3A_116 = arith.extui %eq3A_115 : vector<128x64xi1> to vector<128x64xi32>
    %convert_element_type3A_117 = arith.sitofp %convert_element_type3A_116 : vector<128x64xi32> to vector<128x64xf32>
    %dot_general3A_118 = arith.constant dense<0.000000e+00> : vector<64x128xf32>
    %dot_general3A_119 = tpu.matmul %convert_element_type3A_117, %max3A_45, %dot_general3A_118 {dimension_numbers = #tpu.dot_dimension_numbers<[0], [0], [1], [1], [0, 1, 1, 1], [], []>, transpose_lhs_hint = false} : vector<128x64xf32>, vector<128x128xf32>, vector<64x128xf32> -> vector<64x128xf32>
    %slice3A_120 = vector.extract_strided_slice %dot_general3A_119 {offsets = [0, 80], sizes = [64, 16], strides = [1, 1]} : vector<64x128xf32> to vector<64x16xf32>
    %add3A_121 = arith.addf %add3A_108, %slice3A_120 : vector<64x16xf32>
    %get3A_122 = arith.constant 6 : index
    %get3A_123 = arith.constant 0 : index
    %get3A_124 = vector.load %arg2[%get3A_122, %get3A_123] : memref<8x128xi32, #tpu.memory_space<vmem>>, vector<1x128xi32>
    %get3A_125 = vector.shape_cast %get3A_124 : vector<1x128xi32> to vector<128xi32>
    %broadcast_in_dim3A_126 = vector.shape_cast %get3A_125 : vector<128xi32> to vector<128x1xi32>
    %eq3A_127 = vector.broadcast %broadcast_in_dim3A_126 : vector<128x1xi32> to vector<128x64xi32>
    %eq3A_128 = arith.cmpi eq, %eq3A_127, %iota3A : vector<128x64xi32>
    %convert_element_type3A_129 = arith.extui %eq3A_128 : vector<128x64xi1> to vector<128x64xi32>
    %convert_element_type3A_130 = arith.sitofp %convert_element_type3A_129 : vector<128x64xi32> to vector<128x64xf32>
    %dot_general3A_131 = arith.constant dense<0.000000e+00> : vector<64x128xf32>
    %dot_general3A_132 = tpu.matmul %convert_element_type3A_130, %max3A_45, %dot_general3A_131 {dimension_numbers = #tpu.dot_dimension_numbers<[0], [0], [1], [1], [0, 1, 1, 1], [], []>, transpose_lhs_hint = false} : vector<128x64xf32>, vector<128x128xf32>, vector<64x128xf32> -> vector<64x128xf32>
    %slice3A_133 = vector.extract_strided_slice %dot_general3A_132 {offsets = [0, 96], sizes = [64, 16], strides = [1, 1]} : vector<64x128xf32> to vector<64x16xf32>
    %add3A_134 = arith.addf %add3A_121, %slice3A_133 : vector<64x16xf32>
    %get3A_135 = arith.constant 7 : index
    %get3A_136 = arith.constant 0 : index
    %get3A_137 = vector.load %arg2[%get3A_135, %get3A_136] : memref<8x128xi32, #tpu.memory_space<vmem>>, vector<1x128xi32>
    %get3A_138 = vector.shape_cast %get3A_137 : vector<1x128xi32> to vector<128xi32>
    %broadcast_in_dim3A_139 = vector.shape_cast %get3A_138 : vector<128xi32> to vector<128x1xi32>
    %eq3A_140 = vector.broadcast %broadcast_in_dim3A_139 : vector<128x1xi32> to vector<128x64xi32>
    %eq3A_141 = arith.cmpi eq, %eq3A_140, %iota3A : vector<128x64xi32>
    %convert_element_type3A_142 = arith.extui %eq3A_141 : vector<128x64xi1> to vector<128x64xi32>
    %convert_element_type3A_143 = arith.sitofp %convert_element_type3A_142 : vector<128x64xi32> to vector<128x64xf32>
    %dot_general3A_144 = arith.constant dense<0.000000e+00> : vector<64x128xf32>
    %dot_general3A_145 = tpu.matmul %convert_element_type3A_143, %max3A_45, %dot_general3A_144 {dimension_numbers = #tpu.dot_dimension_numbers<[0], [0], [1], [1], [0, 1, 1, 1], [], []>, transpose_lhs_hint = false} : vector<128x64xf32>, vector<128x128xf32>, vector<64x128xf32> -> vector<64x128xf32>
    %slice3A_146 = vector.extract_strided_slice %dot_general3A_145 {offsets = [0, 112], sizes = [64, 16], strides = [1, 1]} : vector<64x128xf32> to vector<64x16xf32>
    %add3A_147 = arith.addf %add3A_134, %slice3A_146 : vector<64x16xf32>
    %eq3A_148 = arith.constant 0 : i32
    %eq3A_149 = arith.cmpi eq, %arg0, %eq3A_148 : i32
    %convert_element_type3A_150 = arith.extui %eq3A_149 : i1 to i32
    %cond3A = arith.constant 0 : i32
    %cond3A_151 = arith.cmpi ne, %convert_element_type3A_150, %cond3A : i32
    scf.if %cond3A_151 {
      %swap3A = arith.constant 0 : index
      %swap3A_161 = arith.constant 0 : index
      %swap3A_162 = vector.load %arg14[%swap3A, %swap3A_161] : memref<64x16xf32, #tpu.memory_space<vmem>>, vector<64x16xf32>
      tpu.vector_store %arg14[%swap3A, %swap3A_161], %add3A_147 {strides = array<i32>} : memref<64x16xf32, #tpu.memory_space<vmem>>, vector<64x16xf32>,
    } else {
    }
    %gt3A = arith.constant 0 : i32
    %gt3A_152 = arith.cmpi sgt, %arg0, %gt3A : i32
    %convert_element_type3A_153 = arith.extui %gt3A_152 : i1 to i32
    %cond3A_154 = arith.constant 0 : i32
    %cond3A_155 = arith.cmpi ne, %convert_element_type3A_153, %cond3A_154 : i32
    scf.if %cond3A_155 {
      %get3A_161 = arith.constant 0 : index
      %get3A_162 = arith.constant 0 : index
      %get3A_163 = vector.load %arg14[%get3A_161, %get3A_162] : memref<64x16xf32, #tpu.memory_space<vmem>>, vector<64x16xf32>
      %add3A_164 = arith.addf %get3A_163, %add3A_147 : vector<64x16xf32>
      %swap3A = arith.constant 0 : index
      %swap3A_165 = arith.constant 0 : index
      %swap3A_166 = vector.load %arg14[%swap3A, %swap3A_165] : memref<64x16xf32, #tpu.memory_space<vmem>>, vector<64x16xf32>
      tpu.vector_store %arg14[%swap3A, %swap3A_165], %add3A_164 {strides = array<i32>} : memref<64x16xf32, #tpu.memory_space<vmem>>, vector<64x16xf32>,
    } else {
    }
    %eq3A_156 = arith.constant 9 : i32
    %eq3A_157 = arith.cmpi eq, %arg0, %eq3A_156 : i32
    %convert_element_type3A_158 = arith.extui %eq3A_157 : i1 to i32
    %cond3A_159 = arith.constant 0 : i32
    %cond3A_160 = arith.cmpi ne, %convert_element_type3A_158, %cond3A_159 : i32
    scf.if %cond3A_160 {
      %get3A_161 = arith.constant 0 : index
      %get3A_162 = arith.constant 0 : index
      %get3A_163 = vector.load %arg14[%get3A_161, %get3A_162] : memref<64x16xf32, #tpu.memory_space<vmem>>, vector<64x16xf32>
      %get3A_164 = arith.constant 0 : index
      %get3A_165 = arith.constant 0 : index
      %get3A_166 = vector.load %arg9[%get3A_164, %get3A_165] : memref<16x16xf32, #tpu.memory_space<vmem>>, vector<16x16xf32>
      %dot_general3A_167 = arith.constant dense<0.000000e+00> : vector<64x16xf32>
      %dot_general3A_168 = tpu.matmul %get3A_163, %get3A_166, %dot_general3A_167 {dimension_numbers = #tpu.dot_dimension_numbers<[1], [0], [0], [1], [0, 0, 1, 1], [], []>, transpose_lhs_hint = false} : vector<64x16xf32>, vector<16x16xf32>, vector<64x16xf32> -> vector<64x16xf32>
      %get3A_169 = arith.constant 0 : index
      %get3A_170 = arith.constant 0 : index
      %get3A_171 = vector.load %arg10[%get3A_169, %get3A_170] : memref<1x16xf32, #tpu.memory_space<vmem>>, vector<1x16xf32>
      %add3A_172 = vector.broadcast %get3A_171 : vector<1x16xf32> to vector<64x16xf32>
      %add3A_173 = arith.addf %dot_general3A_168, %add3A_172 : vector<64x16xf32>
      %max3A_174 = arith.constant 0.000000e+00 : f32
      %max3A_175 = vector.broadcast %max3A_174 : f32 to vector<64x16xf32>
      %max3A_176 = arith.maximumf %add3A_173, %max3A_175 : vector<64x16xf32>
      %get3A_177 = arith.constant 0 : index
      %get3A_178 = arith.constant 0 : index
      %get3A_179 = vector.load %arg11[%get3A_177, %get3A_178] : memref<16x16xf32, #tpu.memory_space<vmem>>, vector<16x16xf32>
      %dot_general3A_180 = arith.constant dense<0.000000e+00> : vector<64x16xf32>
      %dot_general3A_181 = tpu.matmul %max3A_176, %get3A_179, %dot_general3A_180 {dimension_numbers = #tpu.dot_dimension_numbers<[1], [0], [0], [1], [0, 0, 1, 1], [], []>, transpose_lhs_hint = false} : vector<64x16xf32>, vector<16x16xf32>, vector<64x16xf32> -> vector<64x16xf32>
      %get3A_182 = arith.constant 0 : index
      %get3A_183 = arith.constant 0 : index
      %get3A_184 = vector.load %arg12[%get3A_182, %get3A_183] : memref<1x16xf32, #tpu.memory_space<vmem>>, vector<1x16xf32>
      %add3A_185 = vector.broadcast %get3A_184 : vector<1x16xf32> to vector<64x16xf32>
      %add3A_186 = arith.addf %dot_general3A_181, %add3A_185 : vector<64x16xf32>
      %swap3A = arith.constant 0 : index
      %swap3A_187 = arith.constant 0 : index
      %swap3A_188 = vector.load %arg13[%swap3A, %swap3A_187] : memref<64x16xf32, #tpu.memory_space<vmem>>, vector<64x16xf32>
      tpu.vector_store %arg13[%swap3A, %swap3A_187], %add3A_186 {strides = array<i32>} : memref<64x16xf32, #tpu.memory_space<vmem>>, vector<64x16xf32>,
    } else {
    }
    return
  }
  func.func @transform_0(%arg0: i32) -> (i32, i32, i32) {
    %c0_i32 = arith.constant 0 : i32
    %c0_i32_0 = arith.constant 0 : i32
    %c0_i32_1 = arith.constant 0 : i32
    return %c0_i32, %arg0, %c0_i32_0 : i32, i32, i32
  }
  func.func @transform_1(%arg0: i32) -> (i32, i32) {
    %c0_i32 = arith.constant 0 : i32
    %c0_i32_0 = arith.constant 0 : i32
    return %c0_i32, %arg0 : i32, i32
  }
  func.func @transform_2(%arg0: i32) -> (i32, i32) {
    %c0_i32 = arith.constant 0 : i32
    %c0_i32_0 = arith.constant 0 : i32
    %c0_i32_1 = arith.constant 0 : i32
    return %c0_i32, %c0_i32_0 : i32, i32
  }
  func.func @transform_3(%arg0: i32) -> (i32, i32) {
    %c0_i32 = arith.constant 0 : i32
    %c0_i32_0 = arith.constant 0 : i32
    %c0_i32_1 = arith.constant 0 : i32
    return %c0_i32, %c0_i32_0 : i32, i32
  }
  func.func @transform_4(%arg0: i32) -> (i32, i32) {
    %c0_i32 = arith.constant 0 : i32
    %c0_i32_0 = arith.constant 0 : i32
    %c0_i32_1 = arith.constant 0 : i32
    return %c0_i32, %c0_i32_0 : i32, i32
  }
  func.func @transform_5(%arg0: i32) -> (i32, i32) {
    %c0_i32 = arith.constant 0 : i32
    %c0_i32_0 = arith.constant 0 : i32
    %c0_i32_1 = arith.constant 0 : i32
    return %c0_i32, %c0_i32_0 : i32, i32
  }
  func.func @transform_6(%arg0: i32) -> (i32, i32) {
    %c0_i32 = arith.constant 0 : i32
    %c0_i32_0 = arith.constant 0 : i32
    %c0_i32_1 = arith.constant 0 : i32
    return %c0_i32, %c0_i32_0 : i32, i32
  }
  func.func @transform_7(%arg0: i32) -> (i32, i32) {
    %c0_i32 = arith.constant 0 : i32
    %c0_i32_0 = arith.constant 0 : i32
    %c0_i32_1 = arith.constant 0 : i32
    return %c0_i32, %c0_i32_0 : i32, i32
  }
  func.func @transform_8(%arg0: i32) -> (i32, i32) {
    %c0_i32 = arith.constant 0 : i32
    %c0_i32_0 = arith.constant 0 : i32
    %c0_i32_1 = arith.constant 0 : i32
    return %c0_i32, %c0_i32_0 : i32, i32
  }
  func.func @transform_9(%arg0: i32) -> (i32, i32) {
    %c0_i32 = arith.constant 0 : i32
    %c0_i32_0 = arith.constant 0 : i32
    %c0_i32_1 = arith.constant 0 : i32
    return %c0_i32, %c0_i32_0 : i32, i32
  }
  func.func @transform_10(%arg0: i32) -> (i32, i32) {
    %c0_i32 = arith.constant 0 : i32
    %c0_i32_0 = arith.constant 0 : i32
    %c0_i32_1 = arith.constant 0 : i32
    return %c0_i32, %c0_i32_0 : i32, i32
  }
  func.func @transform_11(%arg0: i32) -> (i32, i32) {
    %c0_i32 = arith.constant 0 : i32
    %c0_i32_0 = arith.constant 0 : i32
    %c0_i32_1 = arith.constant 0 : i32
    return %c0_i32, %c0_i32_0 : i32, i32
  }
  func.func @transform_12(%arg0: i32) -> (i32, i32) {
    %c0_i32 = arith.constant 0 : i32
    %c0_i32_0 = arith.constant 0 : i32
    %c0_i32_1 = arith.constant 0 : i32
    return %c0_i32, %c0_i32_0 : i32, i32
  }
}

</mosaic_0001>

<sc_bundles>
// kernel: kernel.6.cloned.1.call-start
scs
__scs_entry_jumppad:
0x0: {  	(pc) =	sbr.rel $0x88, $3  }
0x1: {  	(tag) =	ssettag $0x0;
	lr =	simm.s32 $0x1  }
0x2: {  	[smem:$0x3F91] =	sst lr;
	_ =	strace $0xD0000000  }
0x3: {  	_ = 	snop  }
0x4: {  	_ = 	snop  }
0x5: {  	_ = 	snop  }
0x6: {  	_ = 	snop  }
0x7: {  	_ = 	snop  }
__scs_overlays_trampoline_lowered:
0x8: {  	[smem:$0x3FA0] =	sst s0  }
0x9: {  	[smem:$0x3FA1] =	sst s1  }
0xa: {  	[smem:$0x3FA2] =	sst s2  }
0xb: {  	[smem:$0x3FA3] =	sst s3  }
0xc: {  	[smem:$0x3FA4] =	sst s4  }
0xd: {  	[smem:$0x3FA5] =	sst s5  }
0xe: {  	[smem:$0x3FA6] =	sst s6  }
0xf: {  	[smem:$0x3FA7] =	sst s7  }
0x10: {  	[smem:$0x3FA8] =	sst s8  }
0x11: {  	[smem:$0x3FA9] =	sst s9;
	s0 =	simm.s32 @!p0 $0x0  }
0x12: {  	s1 =	sld [smem:$0x3F8F];
	s0 =	simm.s32 @p0 $0x1  }
0x13: {  	[smem:$0x3FAA] =	sst s0;
	s0 =	simm.s32 @!p1 $0x0  }
0x14: {  	s2 =	sld [smem:$0x3F8E];
	s0 =	simm.s32 @p1 $0x1  }
0x15: {  	[smem:$0x3FAB] =	sst s0;
	s0 =	simm.s32 @!p2 $0x0  }
0x16: {  	s3 =	sld [smem:$0x3FDB];
	s0 =	simm.s32 @p2 $0x1  }
0x17: {  	s4 =	simm.s32 $0x1BF5;
	[smem:$0x3FAD] =	sst s0  }
0x18: {  	s0 =	sld [smem:$0x3F90];
	_ =	swait.ge [sflag:s4], $0x0  }
0x19: {  	s7 =	sld [smem:$0x3F91]  }
0x1a: {  	s8 =	sadd.s32 $0xFFFFE003, lr  }
0x1b: {  	s9 =	sadd.s32 $0xFFFFFEF7, lr;
	s5 =	simm.s32 $0xFFFFFFFF;
	p2 =	slt.u32 s8, $0xFFFFF086  }
0x1c: {  	p1 =	slt.u32 s9, $0xF7A;
	s5 =	simm.s32 @!p2 $0x0  }
0x1d: {  	s5 =	simm.s32 @p1 $0x1;
	p0 =	seq.s32 s7, s2  }
0x1e: {  	s7 =	smul.u32 @!p0 $0xF7A, s2;
	p2 =	seq.s32 @!p0 s5, $0x0  }
0x1f: {  	s9 =	smul.u32 $0xF7A, s1;
	s8 =	simm.s32 @!p0 $0x1BF5;
	p2 =	por !p2, p0  }
0x20: {  	[sflag:s8] =	ssyncset.s32 @!p0 $0xFFFFF086;
	s6 =	sadd.s32 @!p0 s3, s7;
	s7 =	simm.s32 @!p0 $0x108  }
0x21: {  	s3 =	sadd.s32 s3, s9;
	s6 =	sadd.s32 @!p0 $0x88, s6;
	s7 =	simm.s32 @p2 $0x1082  }
0x22: {  	[simem:s7], [sflag:s8] =	dma.local @!p0 [hbm:s6], $0xF7A  }
0x23: {  	s9 =	sor.u32 $0xD0000000, s2;
	s6 =	simm.s32 $0x108;
	_ =	swait.ge @!p0 [sflag:s8], $0x0  }
0x24: {  	s3 =	sadd.s32 $0x88, s3;
	s6 =	simm.s32 @!p1 $0x1082;
	[sflag:s4] =	ssyncset.s32 $0xFFFFF086  }
0x25: {  	[simem:s6], [sflag:s4] =	dma.local [hbm:s3], $0xF7A  }
0x26: {  	[smem:$0x3F91] =	sst s1;
	(tag) =	ssettag s2;
	_ =	strace s9  }
0x27: {  	s1 =	sld [smem:$0x3FA1]  }
0x28: {  	s2 =	sld [smem:$0x3FA2]  }
0x29: {  	s4 =	sld [smem:$0x3FA4]  }
0x2a: {  	p0 =	seq.s32 s5, $0x0;
	s5 =	sld [smem:$0x3FA5]  }
0x2b: {  	s6 =	sld [smem:$0x3FA6]  }
0x2c: {  	s7 =	sld [smem:$0x3FA7]  }
0x2d: {  	s3 =	simm.s32 $0x108;
	s8 =	sld [smem:$0x3FA8]  }
0x2e: {  	s3 =	simm.s32 @!p0 $0x1082;
	s9 =	sld [smem:$0x3FA9]  }
0x2f: {  	lr =	sadd.s32 s0, s3;
	s0 =	sld [smem:$0x3FA0]  }
0x30: {  	s3 =	sld [smem:$0x3FA3]  }
0x31: {  	[smem:$0x3FAC] =	sst s10  }
0x32: {  	s10 =	sld [smem:$0x3FAA];
	_ =	sdelay $0x3  }
0x33: {  	p0 =	seq.s32 s10, $0x1;
	s10 =	sld [smem:$0x3FAC];
	_ =	sdelay $0x3  }
0x34: {  	[smem:$0x3FAC] =	sst s10  }
0x35: {  	s10 =	sld [smem:$0x3FAB];
	_ =	sdelay $0x3  }
0x36: {  	p1 =	seq.s32 s10, $0x1;
	s10 =	sld [smem:$0x3FAC];
	_ =	sdelay $0x3  }
0x37: {  	[smem:$0x3FAC] =	sst s10  }
0x38: {  	s10 =	sld [smem:$0x3FAD]  }
0x39: {  	_ = 	snop;
	(pc) =	sbr.ind lr, $3  }
0x3a: {  	_ = 	snop  }
0x3b: {  	_ = 	snop  }
0x3c: {  	p2 =	seq.s32 s10, $0x1;
	s10 =	sld [smem:$0x3FAC]  }
0x3d: {  	_ =	shalt  }
0x3e: {  	_ =	shalt  }
0x3f: {  	_ =	shalt  }
0x40: {  	_ =	shalt  }
0x41: {  	_ =	shalt  }
0x42: {  	_ =	shalt  }
0x43: {  	_ =	shalt  }
0x44: {  	_ =	shalt  }
0x45: {  	_ =	shalt  }
0x46: {  	_ =	shalt  }
0x47: {  	_ =	shalt  }
0x48: {  	_ =	shalt  }
0x49: {  	_ =	shalt  }
0x4a: {  	_ =	shalt  }
0x4b: {  	_ =	shalt  }
0x4c: {  	_ =	shalt  }
0x4d: {  	_ =	shalt  }
0x4e: {  	_ =	shalt  }
0x4f: {  	_ =	shalt  }
0x50: {  	_ =	shalt  }
0x51: {  	_ =	shalt  }
0x52: {  	_ =	shalt  }
0x53: {  	_ =	shalt  }
0x54: {  	_ =	shalt  }
0x55: {  	_ =	shalt  }
0x56: {  	_ =	shalt  }
0x57: {  	_ =	shalt  }
0x58: {  	_ =	shalt  }
0x59: {  	_ =	shalt  }
0x5a: {  	_ =	shalt  }
0x5b: {  	_ =	shalt  }
0x5c: {  	_ =	shalt  }
0x5d: {  	_ =	shalt  }
0x5e: {  	_ =	shalt  }
0x5f: {  	_ =	shalt  }
0x60: {  	_ =	shalt  }
0x61: {  	_ =	shalt  }
0x62: {  	_ =	shalt  }
0x63: {  	_ =	shalt  }
0x64: {  	_ =	shalt  }
0x65: {  	_ =	shalt  }
0x66: {  	_ =	shalt  }
0x67: {  	_ =	shalt  }
0x68: {  	_ =	shalt  }
0x69: {  	_ =	shalt  }
0x6a: {  	_ =	shalt  }
0x6b: {  	_ =	shalt  }
0x6c: {  	_ =	shalt  }
0x6d: {  	_ =	shalt  }
0x6e: {  	_ =	shalt  }
0x6f: {  	_ =	shalt  }
0x70: {  	_ =	shalt  }
0x71: {  	_ =	shalt  }
0x72: {  	_ =	shalt  }
0x73: {  	_ =	shalt  }
0x74: {  	_ =	shalt  }
0x75: {  	_ =	shalt  }
0x76: {  	_ =	shalt  }
0x77: {  	_ =	shalt  }
0x78: {  	_ =	shalt  }
0x79: {  	_ =	shalt  }
0x7a: {  	_ =	shalt  }
0x7b: {  	_ =	shalt  }
0x7c: {  	_ =	shalt  }
0x7d: {  	_ =	shalt  }
0x7e: {  	_ =	shalt  }
0x7f: {  	_ =	shalt  }
0x80: {  	_ =	shalt  }
0x81: {  	_ =	shalt  }
0x82: {  	_ =	shalt  }
0x83: {  	_ =	shalt  }
0x84: {  	_ =	shalt  }
0x85: {  	_ =	shalt  }
0x86: {  	_ =	shalt  }
0x87: {  	_ =	shalt  }
.Lfunc_end0:
.L_simem_size_0:
called_computation_lowered:
.L_overlay_start_0:
0x88: {  	s2 =	sld [smem:$0x3FD9]  }
0x89: {  	s3 =	sld [smem:$0x3FFE];
	_ =	sdelay $0x1  }
0x8a: {  	s1 =	srdreg.scid  }
0x8b: {  	s0 =	sand.u32 $0x1, s1  }
0x8c: {  	s16 =	sshll.u32 s0, $0xA;
	s2 =	sadd.s32 s3, s2  }
0x8d: {  	s2 =	sadd.s32 s2, s16  }
0x8e: {  	[smem:$0x3FB8] =	sst s2  }
0x8f: {  	_ = 	snop  }
0x90: {  	(tm) =	ssettm $0x1  }
0x91: {  	s17 =	sld [smem:$0x3FFB];
	_ =	sdelay $0x3  }
0x92: {  	_ =	strace s17  }
0x93: {  	s2 =	sld [smem:$0x3FFC];
	_ =	sdelay $0x3  }
0x94: {  	_ =	strace s2  }
0x95: {  	s2 =	sld [smem:$0x3FFD];
	_ =	sdelay $0x3  }
0x96: {  	_ =	strace s2  }
0x97: {  	_ =	strace $0x8FFFFFFF  }
0x98: {  	s18 =	sld [smem:$0x3FDB];
	_ =	sdelay $0x1  }
0x99: {  	s19 =	simm.s32 $_scs_section_size  }
0x9a: {  	s4 =	simm.s32 $_size__tile_overlayer_lowered;
	s5 =	simm.s32 $_tile_overlayer_lowered  }
0x9b: {  	s22 =	simm.s32 $0x1BFF;
	s21 =	sshll.u32 s5, $0x1;
	s2 =	sadd.s32 s19, s18  }
0x9c: {  	s6 =	simm.s32 $0x0;
	s20 =	sshll.u32 s4, $0x1;
	s4 =	sadd.s32 s21, s2  }
0x9d: {  	[timem:s6], [sflag:s22] =	dma.local [hbm:s4], s20  }
0x9e: {  	_ =	swait.ge [sflag:s22], s20  }
0x9f: {  	s3 =	ssub.s32 $0x0, s20;
	[sflag:s22] =	ssyncset.done $0x0  }
0xa0: {  	[sflag:s22] =	ssyncadd.s32 s3;
	_ =	sdelay $0x1  }
0xa1: {  	s23 =	simm.s32 $0x1B8B  }
0xa2: {  	_ =	swait.ge [sflag:s23], $0x1  }
0xa3: {  	[sflag:s23] =	ssyncset.done $0x0  }
0xa4: {  	s25 =	simm.s32 $0x1B8E;
	s24 =	sld [smem:$0x3FFE];
	[sflag:s23] =	ssyncadd.s32 $0xFFFFFFFF  }
0xa5: {  	s26 =	simm.s32 $execute0_lowered;
	[smem:$0x3FD2] =	sst s25  }
0xa6: {  	s4 =	sshll.u32 s26, $0x1;
	_ =	strace $0x80000046;
	[dreg:$0x1] =	wrdreg $0xFFFFFFFF  }
0xa7: {  	s28 =	simm.s32 $_size_execute0_lowered;
	s2 =	sadd.s32 s2, s4;
	[dreg:$0x0] =	wrdreg $0x0  }
0xa8: {  	s4 =	sshll.u32 s28, $0x1;
	[dreg:$0x2] =	wrdreg s2  }
0xa9: {  	[dreg:$0x3] =	wrdreg s4  }
0xaa: {  	[dreg:$0x4] =	wrdreg $0xC0  }
0xab: {  	_ =	task [dreg:s6], $0x5FFFF  }
0xac: {  	[dreg:$0x1] =	wrdreg $0xFFFFFFFF  }
0xad: {  	[dreg:$0x0] =	wrdreg $0x60  }
0xae: {  	[dreg:$0x2] =	wrdreg s24  }
0xaf: {  	[dreg:$0x3] =	wrdreg $0x84000  }
0xb0: {  	[dreg:$0x4] =	wrdreg $0x9  }
0xb1: {  	_ =	task.clear_ibuf [dreg:s6], $0x5FFFF;
	_ =	strace $0x90000046  }
0xb2: {  	s29 =	simm.s32 $0x9;
	_ =	strace $0x80000048  }
0xb3: {  	_ =	swait.ge [sflag:s29], $0x1  }
0xb4: {  	[sflag:s29] =	ssyncadd.s32 $0xFFFFFFFF  }
0xb5: {  	_ =	strace $0x90000048  }
0xb6: {  	_ =	sfence  }
0xb7: {  	s30 =	sld [smem:$0x0];
	_ =	sdelay $0x2  }
0xb8: {  	s31 =	sshll.u32 s1, $0xD;
	s1 =	sshrl.u32 s1, $0x2  }
0xb9: {  	s3 =	sand.u32 $0x4000, s31;
	s1 =	sadd.s32 s1, s30  }
0xba: {  	s0 =	sor.u32 s3, s0;
	s1 =	sshll.u32 s1, $0x11  }
0xbb: {  	s0 =	sor.u32 s1, s0  }
0xbc: {  	s0 =	sadd.s32 $0x8F2B, s0  }
0xbd: {  	[sflag:s0] =	ssyncadd.remote.s32 $0x1  }
0xbe: {  	_ =	sfence.sel $0xFFFF  }
0xbf: {  	[dreg:$0x0] =	wrdreg $0xFFFFFFFF;
	(pc) =	sbr.abs _section_cstart, $3  }
0xc0: {  	[dreg:$0x1] =	wrdreg $0xFFFFFFFF  }
0xc1: {  	_ =	task.clear_ibuf [dreg:s6], $0x2FFFF;
	_ =	strace $0x9FFFFFFF  }
0xc2: {  	(tm) =	ssettm $0x7FFFFFFF  }
0xc3: {  	_ =	shalt  }
tec
execute0_lowered:
.L_overlay_start_1:
0x0: {  	(tag) =	ssettag $0x1  }
0x1: {  	s0 =	rddreg [dreg:$0x0]  }
0x2: {  	s2 =	rddreg [dreg:$0x1];
	s3 =	simm.s32 $0x0;
	s1 =	srdreg.scid  }
0x3: {  	s13 =	stileid.u32;
	s15 =	simm.s32 $0x6400;
	s29 =	simm.s32 $0x5  }
0x4: {  	s17 =	simm.s32 $0x200;
	s18 =	simm.s32 $0x80;
	s19 =	simm.s32 $0x280  }
0x5: {  	s20 =	simm.s32 $0x100;
	s21 =	simm.s32 $0x300;
	s22 =	simm.s32 $0x180  }
0x6: {  	s23 =	simm.s32 $0x380;
	s24 =	simm.s32 $0x1;
	s14 =	simm.s32 $0x3  }
0x7: {  	s16 =	simm.s32 $0x7400;
	[smem:$0x7FF] =	sst s3;
	s4 =	sand.u32 $0x1, s1  }
0x8: {  	s25 =	smul.u32 $0x2800, s13;
	s5 =	sadd.s32 $0x15A00, s0;
	s6 =	sadd.s32 $0x1AA00, s0  }
0x9: {  	s7 =	sadd.s32 $0x1FA00, s0;
	s8 =	sadd.s32 $0xBC00, s0;
	s11 =	smul.u32 $0xA000, s13  }
0xa: {  	s1 =	simm.s32 $0x0;
	s9 =	smul.u32 $0x28000, s4;
	s12 =	ssub.s32 $0x2, s4  }
0xb: {  	_ =	strace $0x80000047;
	s26 =	sshrl.u32 s12, $0x1;
	s11 =	sshrl.u32 s11, $0x2  }
0xc: {  	s28 =	sadd.s32 s25, s2;
	s10 =	sadd.s32 s25, s9;
	s9 =	sadd.s32 $0x1E00, s0  }
0xd: {  	s12 =	ssub.s32 s12, s26;
	s11 =	sadd.s32 s11, s2;
	s25 =	simm.s32 $0x7C00  }
.Ltmp0:
0xe: {  	s26 =	simm.s32 $0x4;
	[dreg:$0x3] =	wrdreg s28;
	(pc) =	sbr.rel .LBB2_1-.Ltmp0, $4  }
0xf: {  	s10 =	sshrl.u32 s10, $0x3;
	s30 =	sadd.s32 $0x2000, s11;
	s31 =	smax.u32 s12, $0x1  }
0x10: {  	s12 =	simm.s32 $0x4400;
	s0 =	sadd.s32 s10, s0;
	[dreg:$0x4] =	wrdreg s30  }
0x11: {  	s11 =	simm.s32 $0x6C00;
	[dreg:$0x6] =	wrdreg s31;
	s0 =	sadd.s32 $0xBBE00, s0  }
0x12: {  	v0 =	vimm.f32 $0.0e+00;
	s10 =	sshll.u32 s13, $0x1;
	s13 =	simm.s32 $0x2;
	[dreg:$0x5] =	wrdreg s0  }
.LBB2_9:
0x13: {  	s0 =	stileid.u32;
	[bflag:$0x0] =	sbarrier.arrive $0xFFFF  }
0x14: {  	s0 =	sshll.u32 s0, $0x6;
	s28 =	rddreg [dreg:$0x3]  }
0x15: {  	s29 =	rddreg [dreg:$0x5];
	s0 =	sor.u32 $0x1C05, s0;
	s1 =	sshrl.u32 s28, $0x3  }
0x16: {  	[hbm:s29], [sflag:s0] =	dma.local [spmem:s1], $0x500  }
0x17: {  	s29 =	simm.s32 $0x5  }
0x18: {  	_ =	swait.ge [sflag:s29], $0x500  }
0x19: {  	s30 =	rddreg [dreg:$0x7]  }
0x1a: {  	s31 =	rddreg [dreg:$0x6];
	s1 =	sadd.s32 $0x1, s30  }
0x1b: {  	p0 =	sne.s32 s1, s31  }
.Ltmp1:
0x1c: {  	_ = 	snop;
	(pc) =	sbr.rel @!p0 .LBB2_10-.Ltmp1, $3  }
0x1d: {  	_ =	sdelay $0x1  }
0x1e: {  	[sflag:s29] =	ssyncset.done $0x0  }
0x1f: {  	[sflag:s29] =	ssyncadd.s32 $0xFFFFFB00  }
.LBB2_1:
0x20: {  	[dreg:$0x7] =	wrdreg s1;
	s0 =	simm.s32 $0x40;
	s1 =	simm.s32 $0x0  }
.LBB2_2:
0x21: {  	p0 =	sne.s32 s0, $0x7FC0;
	[tilespmem:s1+$0x6400] =	vst v0;
	s1 =	smov.u32 s0;
	s0 =	sadd.s32 $0x40, s0  }
.Ltmp2:
0x22: {  	(pc) =	sbr.rel @p0 .LBB2_2-.Ltmp2, $2  }
0x23: {  	_ =	sdelay $0x2  }
0x24: {  	s1 =	sshra.s32 s1, $0x2  }
0x25: {  	[tilespmem:s1+$0x6400] =	vst v0  }
0x26: {  	[spmem:s28] =	stream.linear.scatter [tilespmem:s15], [sflag:$0x5], $0x2000, $0x38;
	[tilespmem:$0xAC00] =	vst v63  }
0x27: {  	_ =	swait.ge [sflag:s29], $0x2000  }
0x28: {  	[sflag:s29] =	ssyncset.done $0x0  }
0x29: {  	s0 =	rddreg [dreg:$0x4];
	[sflag:s29] =	ssyncadd.s32 $0xFFFFE000  }
0x2a: {  	[spmem:s0] =	stream.linear.scatter [tilespmem:s15], [sflag:$0x5], $0x800, $0x38;
	[tilespmem:$0xAC00] =	vst v63  }
.Ltmp3:
0x2b: {  	_ =	swait.ge [sflag:s29], $0x800;
	(pc) =	sbr.rel .LBB2_4-.Ltmp3, $4  }
0x2c: {  	[sflag:s29] =	ssyncset.done $0x0  }
0x2d: {  	[sflag:s29] =	ssyncadd.s32 $0xFFFFF800  }
0x2e: {  	[bflag:$0x0] =	sbarrier.arrive $0xFFFF  }
0x2f: {  	s28 =	simm.s32 $0x0  }
.LBB2_8:
0x30: {  	s28 =	sadd.s32 $0x1, s28  }
0x31: {  	p0 =	sne.s32 s28, $0x14  }
.Ltmp4:
0x32: {  	_ = 	snop;
	(pc) =	sbr.rel @!p0 .LBB2_9-.Ltmp4, $1  }
0x33: {  	_ =	sdelay $0x3  }
.LBB2_4:
0x34: {  	s0 =	sshll.u32 s28, $0x5  }
0x35: {  	s0 =	sor.u32 s0, s10  }
0x36: {  	s0 =	sor.u32 s4, s0  }
0x37: {  	p0 =	sgt.u32 s0, $0x270  }
.Ltmp5:
0x38: {  	_ = 	snop;
	(pc) =	sbr.rel @p0 .LBB2_8-.Ltmp5, $1  }
0x39: {  	_ =	sdelay $0x3  }
0x3a: {  	s1 =	sshll.u32 s0, $0x6  }
0x3b: {  	s29 =	sadd.s32 s8, s1  }
0x3c: {  	[tilespmem:s3], [sflag:$0x1] =	stream.linear.gather [hbm4b:s29+s3], $0x80, $0x38;
	[tilespmem:$0xAC00] =	vst v63  }
0x3d: {  	s29 =	sadd.s32 s9, s1  }
0x3e: {  	[tilespmem:s17], [sflag:$0x1] =	stream.linear.gather [hbm4b:s29+s3], $0x80, $0x38;
	[tilespmem:$0xAC00] =	vst v63  }
0x3f: {  	s29 =	sor.u32 $0x10, s1  }
0x40: {  	s30 =	sadd.s32 s8, s29  }
0x41: {  	[tilespmem:s18], [sflag:$0x1] =	stream.linear.gather [hbm4b:s30+s3], $0x80, $0x38;
	[tilespmem:$0xAC00] =	vst v63  }
0x42: {  	s29 =	sadd.s32 s9, s29  }
0x43: {  	[tilespmem:s19], [sflag:$0x1] =	stream.linear.gather [hbm4b:s29+s3], $0x80, $0x38;
	[tilespmem:$0xAC00] =	vst v63  }
0x44: {  	s29 =	sor.u32 $0x20, s1  }
0x45: {  	s30 =	sadd.s32 s8, s29  }
0x46: {  	[tilespmem:s20], [sflag:$0x1] =	stream.linear.gather [hbm4b:s30+s3], $0x80, $0x38;
	[tilespmem:$0xAC00] =	vst v63  }
0x47: {  	s1 =	sor.u32 $0x30, s1;
	s29 =	sadd.s32 s9, s29  }
0x48: {  	[tilespmem:s21], [sflag:$0x1] =	stream.linear.gather [hbm4b:s29+s3], $0x80, $0x38;
	[tilespmem:$0xAC00] =	vst v63  }
0x49: {  	s29 =	sadd.s32 s8, s1  }
0x4a: {  	[tilespmem:s22], [sflag:$0x1] =	stream.linear.gather [hbm4b:s29+s3], $0x80, $0x38;
	[tilespmem:$0xAC00] =	vst v63  }
0x4b: {  	s1 =	sadd.s32 s9, s1  }
0x4c: {  	[tilespmem:s23], [sflag:$0x1] =	stream.linear.gather [hbm4b:s1+s3], $0x80, $0x38;
	[tilespmem:$0xAC00] =	vst v63  }
0x4d: {  	_ =	swait.ge [sflag:s24], $0x80  }
0x4e: {  	[sflag:s24] =	ssyncset.done $0x0  }
0x4f: {  	[sflag:s24] =	ssyncadd.s32 $0xFFFFFF80  }
0x50: {  	_ =	swait.ge [sflag:s24], $0x80  }
0x51: {  	[sflag:s24] =	ssyncset.done $0x0  }
0x52: {  	[sflag:s24] =	ssyncadd.s32 $0xFFFFFF80  }
0x53: {  	_ =	swait.ge [sflag:s24], $0x80  }
0x54: {  	[sflag:s24] =	ssyncset.done $0x0  }
0x55: {  	[sflag:s24] =	ssyncadd.s32 $0xFFFFFF80  }
0x56: {  	_ =	swait.ge [sflag:s24], $0x80  }
0x57: {  	[sflag:s24] =	ssyncset.done $0x0  }
0x58: {  	[sflag:s24] =	ssyncadd.s32 $0xFFFFFF80  }
0x59: {  	_ =	swait.ge [sflag:s24], $0x80  }
0x5a: {  	[sflag:s24] =	ssyncset.done $0x0  }
0x5b: {  	[sflag:s24] =	ssyncadd.s32 $0xFFFFFF80  }
0x5c: {  	_ =	swait.ge [sflag:s24], $0x80  }
0x5d: {  	[sflag:s24] =	ssyncset.done $0x0  }
0x5e: {  	[sflag:s24] =	ssyncadd.s32 $0xFFFFFF80  }
0x5f: {  	_ =	swait.ge [sflag:s24], $0x80  }
0x60: {  	[sflag:s24] =	ssyncset.done $0x0  }
0x61: {  	[sflag:s24] =	ssyncadd.s32 $0xFFFFFF80  }
0x62: {  	_ =	swait.ge [sflag:s24], $0x80  }
0x63: {  	[sflag:s24] =	ssyncset.done $0x0  }
0x64: {  	s1 =	simm.s32 $0x400;
	[sflag:s24] =	ssyncadd.s32 $0xFFFFFF80  }
0x65: {  	[tilespmem:s1], [sflag:$0x2] =	stream.indirect.gather [hbm4b:s5+s18], $0x10, s3, s18, $0xb8;
	[tilespmem:$0xAC00] =	vst v63  }
0x66: {  	s1 =	simm.s32 $0x2400  }
0x67: {  	[tilespmem:s1], [sflag:$0x2] =	stream.indirect.gather [hbm4b:s6+s18], $0x10, s17, s18, $0xb8;
	[tilespmem:$0xAC00] =	vst v63  }
0x68: {  	s1 =	simm.s32 $0xC00  }
0x69: {  	[tilespmem:s1], [sflag:$0x2] =	stream.indirect.gather [hbm4b:s5+s18], $0x10, s18, s18, $0xb8;
	[tilespmem:$0xAC00] =	vst v63  }
0x6a: {  	s1 =	simm.s32 $0x2C00  }
0x6b: {  	[tilespmem:s1], [sflag:$0x2] =	stream.indirect.gather [hbm4b:s6+s18], $0x10, s19, s18, $0xb8;
	[tilespmem:$0xAC00] =	vst v63  }
0x6c: {  	s1 =	simm.s32 $0x1400  }
0x6d: {  	[tilespmem:s1], [sflag:$0x2] =	stream.indirect.gather [hbm4b:s5+s18], $0x10, s20, s18, $0xb8;
	[tilespmem:$0xAC00] =	vst v63  }
0x6e: {  	s1 =	simm.s32 $0x3400  }
0x6f: {  	[tilespmem:s1], [sflag:$0x2] =	stream.indirect.gather [hbm4b:s6+s18], $0x10, s21, s18, $0xb8;
	[tilespmem:$0xAC00] =	vst v63  }
0x70: {  	s1 =	simm.s32 $0x1C00  }
0x71: {  	[tilespmem:s1], [sflag:$0x2] =	stream.indirect.gather [hbm4b:s5+s18], $0x10, s22, s18, $0xb8;
	[tilespmem:$0xAC00] =	vst v63  }
0x72: {  	s1 =	simm.s32 $0x3C00  }
0x73: {  	[tilespmem:s1], [sflag:$0x2] =	stream.indirect.gather [hbm4b:s6+s18], $0x10, s23, s18, $0xb8;
	[tilespmem:$0xAC00] =	vst v63  }
0x74: {  	s1 =	sshll.u32 s0, $0xA  }
0x75: {  	s0 =	sadd.s32 s7, s1  }
0x76: {  	[tilespmem:s12], [sflag:$0x3] =	stream.linear.gather [hbm4b:s0+s3], $0x2000, $0x38;
	[tilespmem:$0xAC00] =	vst v63  }
0x77: {  	_ =	swait.ge [sflag:s13], $0x800  }
0x78: {  	[sflag:s13] =	ssyncset.done $0x0  }
0x79: {  	[sflag:s13] =	ssyncadd.s32 $0xFFFFF800  }
0x7a: {  	_ =	swait.ge [sflag:s13], $0x800  }
0x7b: {  	[sflag:s13] =	ssyncset.done $0x0  }
0x7c: {  	[sflag:s13] =	ssyncadd.s32 $0xFFFFF800  }
0x7d: {  	_ =	swait.ge [sflag:s13], $0x800  }
0x7e: {  	[sflag:s13] =	ssyncset.done $0x0  }
0x7f: {  	[sflag:s13] =	ssyncadd.s32 $0xFFFFF800  }
0x80: {  	_ =	swait.ge [sflag:s13], $0x800  }
0x81: {  	[sflag:s13] =	ssyncset.done $0x0  }
0x82: {  	[sflag:s13] =	ssyncadd.s32 $0xFFFFF800  }
0x83: {  	_ =	swait.ge [sflag:s13], $0x800  }
0x84: {  	[sflag:s13] =	ssyncset.done $0x0  }
0x85: {  	[sflag:s13] =	ssyncadd.s32 $0xFFFFF800  }
0x86: {  	_ =	swait.ge [sflag:s13], $0x800  }
0x87: {  	[sflag:s13] =	ssyncset.done $0x0  }
0x88: {  	[sflag:s13] =	ssyncadd.s32 $0xFFFFF800  }
0x89: {  	_ =	swait.ge [sflag:s13], $0x800  }
0x8a: {  	[sflag:s13] =	ssyncset.done $0x0  }
0x8b: {  	[sflag:s13] =	ssyncadd.s32 $0xFFFFF800  }
0x8c: {  	_ =	swait.ge [sflag:s13], $0x800  }
0x8d: {  	[sflag:s13] =	ssyncset.done $0x0  }
0x8e: {  	[sflag:s13] =	ssyncadd.s32 $0xFFFFF800  }
0x8f: {  	_ =	swait.ge [sflag:s14], $0x2000  }
0x90: {  	[sflag:s14] =	ssyncset.done $0x0  }
0x91: {  	s1 =	simm.s32 $0x440;
	[sflag:s14] =	ssyncadd.s32 $0xFFFFE000  }
0x92: {  	s29 =	simm.s32 $0x2440;
	v1 =	vld [tilespmem:s1+$0x30]  }
0x93: {  	v2 =	vld [tilespmem:s29+$0x30]  }
0x94: {  	s30 =	simm.s32 $0x4440;
	v6 =	vld [tilespmem:s29+$0xFFFFFFC0]  }
0x95: {  	v3 =	vld [tilespmem:s30+$0x30]  }
0x96: {  	v4 =	vld [tilespmem:s1+$0xFFFFFFD0]  }
0x97: {  	v5 =	vld [tilespmem:s29+$0xFFFFFFD0]  }
0x98: {  	v7 =	vld [tilespmem:s1+$0xFFFFFFE0]  }
0x99: {  	v8 =	vld [tilespmem:s29+$0xFFFFFFE0]  }
0x9a: {  	v9 =	vld [tilespmem:s1+$0xFFFFFFF0]  }
0x9b: {  	v11 =	vld [tilespmem:s29+$0xFFFFFFF0]  }
0x9c: {  	v12 =	vld [tilespmem:s1+$0x0]  }
0x9d: {  	v13 =	vld [tilespmem:s29+$0x0]  }
0x9e: {  	v14 =	vld [tilespmem:s1+$0x10]  }
0x9f: {  	v15 =	vld [tilespmem:s29+$0x10]  }
0xa0: {  	v16 =	vld [tilespmem:s1+$0x20]  }
0xa1: {  	v17 =	vld [tilespmem:s29+$0x20]  }
0xa2: {  	v18 =	vld [tilespmem:s1+$0xFFFFFFC0]  }
0xa3: {  	v20 =	vld [tilespmem:s30+$0xFFFFFFD0]  }
0xa4: {  	v19 =	vld [tilespmem:s30+$0xFFFFFFC0];
	v1 =	vadd.f32 v2, v1  }
0xa5: {  	v10 =	vld [tilespmem:s30+$0xFFFFFFE0];
	v21 =	vadd.f32 v5, v4;
	v5 =	vadd.f32 v8, v7  }
0xa6: {  	v4 =	vadd.f32 v11, v9;
	v9 =	vld [tilespmem:s30+$0xFFFFFFF0];
	v2 =	vadd.f32 v3, v1  }
0xa7: {  	v7 =	vadd.f32 v6, v18;
	v8 =	vld [tilespmem:s30+$0x0];
	v3 =	vadd.f32 v13, v12  }
0xa8: {  	s31 =	simm.s32 $0x6440;
	v6 =	vld [tilespmem:s30+$0x10];
	v1 =	vadd.f32 v15, v14;
	v12 =	vadd.f32 v20, v21;
	v11 =	vmax.f32 v2, $0.0e+00  }
0xa9: {  	s0 =	simm.s32 $0x0;
	s1 =	simm.s32 $0x4C0;
	v2 =	vadd.f32 v17, v16;
	[tilespmem:s31+$0x30] =	vst v11;
	v11 =	vadd.f32 v19, v7;
	v7 =	vld [tilespmem:s30+$0x20]  }
.LBB2_6:
0xaa: {  	v13 =	vld [tilespmem:s1+$0x30];
	v5 =	vadd.f32 v10, v5;
	s29 =	sadd.s32 $0x80, s29  }
0xab: {  	s0 =	sadd.s32 $0x8, s0;
	v10 =	vld [tilespmem:s29+$0x30];
	v11 =	vmax.f32 v11, $0.0e+00;
	v12 =	vmax.f32 v12, $0.0e+00;
	v4 =	vadd.f32 v9, v4  }
0xac: {  	s30 =	sadd.s32 $0x80, s30;
	p0 =	slt.u32 s0, $0x1F8;
	v14 =	vld [tilespmem:s29+$0xFFFFFFC0];
	[tilespmem:s31+$0xFFFFFFC0] =	vst v11;
	v5 =	vmax.f32 v5, $0.0e+00;
	v3 =	vadd.f32 v8, v3  }
0xad: {  	v8 =	vld [tilespmem:s30+$0x30];
	[tilespmem:s31+$0xFFFFFFD0] =	vst v12;
	v4 =	vmax.f32 v4, $0.0e+00;
	v1 =	vadd.f32 v6, v1  }
0xae: {  	v6 =	vld [tilespmem:s1+$0xFFFFFFD0];
	[tilespmem:s31+$0xFFFFFFE0] =	vst v5;
	v3 =	vmax.f32 v3, $0.0e+00;
	v2 =	vadd.f32 v7, v2  }
0xaf: {  	v5 =	vld [tilespmem:s29+$0xFFFFFFD0];
	[tilespmem:s31+$0xFFFFFFF0] =	vst v4;
	v1 =	vmax.f32 v1, $0.0e+00  }
0xb0: {  	v4 =	vld [tilespmem:s1+$0xFFFFFFE0];
	v7 =	vadd.f32 v10, v13;
	[tilespmem:s31+$0x0] =	vst v3;
	v2 =	vmax.f32 v2, $0.0e+00  }
0xb1: {  	v3 =	vld [tilespmem:s29+$0xFFFFFFE0];
	[tilespmem:s31+$0x10] =	vst v1  }
0xb2: {  	v1 =	vld [tilespmem:s1+$0xFFFFFFF0];
	v7 =	vadd.f32 v8, v7;
	[tilespmem:s31+$0x20] =	vst v2  }
0xb3: {  	v2 =	vld [tilespmem:s29+$0xFFFFFFF0]  }
0xb4: {  	s31 =	sadd.s32 $0x80, s31;
	v12 =	vadd.f32 v5, v6;
	v6 =	vld [tilespmem:s1+$0x0];
	v5 =	vmax.f32 v7, $0.0e+00  }
0xb5: {  	v7 =	vld [tilespmem:s29+$0x0];
	[tilespmem:s31+$0x30] =	vst v5  }
0xb6: {  	v5 =	vadd.f32 v3, v4;
	v8 =	vld [tilespmem:s1+$0x10]  }
0xb7: {  	v9 =	vld [tilespmem:s29+$0x10]  }
0xb8: {  	v4 =	vadd.f32 v2, v1;
	v2 =	vld [tilespmem:s1+$0x20]  }
0xb9: {  	v11 =	vld [tilespmem:s29+$0x20]  }
0xba: {  	v13 =	vld [tilespmem:s1+$0xFFFFFFC0];
	v3 =	vadd.f32 v7, v6  }
0xbb: {  	v7 =	vld [tilespmem:s30+$0xFFFFFFC0]  }
0xbc: {  	v15 =	vld [tilespmem:s30+$0xFFFFFFD0];
	v1 =	vadd.f32 v9, v8  }
.Ltmp6:
0xbd: {  	v10 =	vld [tilespmem:s30+$0xFFFFFFE0];
	(pc) =	sbr.rel @p0 .LBB2_6-.Ltmp6, $4  }
0xbe: {  	v9 =	vld [tilespmem:s30+$0xFFFFFFF0];
	v2 =	vadd.f32 v11, v2  }
0xbf: {  	v11 =	vadd.f32 v14, v13;
	v8 =	vld [tilespmem:s30+$0x0]  }
0xc0: {  	v6 =	vld [tilespmem:s30+$0x10]  }
0xc1: {  	s1 =	sadd.s32 $0x80, s1;
	v11 =	vadd.f32 v7, v11;
	v12 =	vadd.f32 v15, v12;
	v7 =	vld [tilespmem:s30+$0x20]  }
0xc2: {  	_ = 	snop  }
0xc3: {  	v5 =	vadd.f32 v10, v5;
	v62 =	vmax.f32 v11, $0.0e+00  }
0xc4: {  	v63 =	vmax.f32 v12, $0.0e+00;
	v4 =	vadd.f32 v9, v4;
	[tilespmem:s31+$0xFFFFFFC0] =	vst v62  }
0xc5: {  	v5 =	vmax.f32 v5, $0.0e+00;
	v3 =	vadd.f32 v8, v3;
	[tilespmem:s31+$0xFFFFFFD0] =	vst v63  }
0xc6: {  	v4 =	vmax.f32 v4, $0.0e+00;
	v1 =	vadd.f32 v6, v1;
	[tilespmem:s31+$0xFFFFFFE0] =	vst v5  }
0xc7: {  	v3 =	vmax.f32 v3, $0.0e+00;
	v2 =	vadd.f32 v7, v2;
	[tilespmem:s31+$0xFFFFFFF0] =	vst v4  }
0xc8: {  	v1 =	vmax.f32 v1, $0.0e+00;
	[tilespmem:s31+$0x0] =	vst v3  }
0xc9: {  	v2 =	vmax.f32 v2, $0.0e+00;
	[tilespmem:s31+$0x10] =	vst v1  }
0xca: {  	[tilespmem:s31+$0x20] =	vst v2  }
0xcb: {  	[spmem:s2] =	stream.indirect.scatter.add.f32 [tilespmem:s15], [sflag:$0x4], $0x10, s17, s18, $0xb8;
	[tilespmem:$0xAC00] =	vst v63  }
0xcc: {  	_ = 	snop  }
0xcd: {  	[spmem:s2] =	stream.indirect.scatter.add.f32 [tilespmem:s11], [sflag:$0x4], $0x10, s19, s18, $0xb8;
	[tilespmem:$0xAC00] =	vst v63  }
0xce: {  	_ = 	snop  }
0xcf: {  	[spmem:s2] =	stream.indirect.scatter.add.f32 [tilespmem:s16], [sflag:$0x4], $0x10, s21, s18, $0xb8;
	[tilespmem:$0xAC00] =	vst v63  }
0xd0: {  	_ = 	snop  }
0xd1: {  	[spmem:s2] =	stream.indirect.scatter.add.f32 [tilespmem:s25], [sflag:$0x4], $0x10, s23, s18, $0xb8;
	[tilespmem:$0xAC00] =	vst v63  }
0xd2: {  	_ =	swait.ge [sflag:s26], $0x800  }
0xd3: {  	[sflag:s26] =	ssyncset.done $0x0  }
0xd4: {  	[sflag:s26] =	ssyncadd.s32 $0xFFFFF800  }
0xd5: {  	_ =	swait.ge [sflag:s26], $0x800  }
0xd6: {  	[sflag:s26] =	ssyncset.done $0x0  }
0xd7: {  	[sflag:s26] =	ssyncadd.s32 $0xFFFFF800  }
0xd8: {  	_ =	swait.ge [sflag:s26], $0x800  }
.Ltmp7:
0xd9: {  	[sflag:s26] =	ssyncset.done $0x0;
	(pc) =	sbr.rel .LBB2_8-.Ltmp7, $4  }
0xda: {  	[sflag:s26] =	ssyncadd.s32 $0xFFFFF800  }
0xdb: {  	_ =	swait.ge [sflag:s26], $0x800  }
0xdc: {  	[sflag:s26] =	ssyncset.done $0x0  }
0xdd: {  	[sflag:s26] =	ssyncadd.s32 $0xFFFFF800  }
.LBB2_10:
0xde: {  	_ =	sfence.sel $0x180000  }
0xdf: {  	[bflag:$0x0] =	sbarrier.arrive $0xFFFF  }
0xe0: {  	_ =	strace $0x90000047  }
0xe1: {  	s0 =	stileid.u32;
	[bflag:$0x2] =	sbarrier.arrive $0xFFFF  }
0xe2: {  	p0 =	sne.s32 s0, $0x0;
	s0 =	rddreg [dreg:$0x2]  }
0xe3: {  	s0 =	sadd.s32 @!p0 $0x100000, s0  }
0xe4: {  	[sflag:s0] =	ssyncadd.tile.s32 @!p0 $0x1;
	_ =	shalt  }
.Lfunc_end2:
_tile_overlayer_lowered:
.L_overlay_start_2:
0xe5: {  	(tag) =	ssettag $0x2  }
0xe6: {  	s0 =	rddreg [dreg:$0x0];
	s2 =	stileid.u32  }
0xe7: {  	s1 =	rddreg [dreg:$0x1];
	p0 =	sne.s32 s2, $0x0  }
0xe8: {  	s3 =	rddreg [dreg:$0x2];
	[bflag:$0x3] =	sbarrier.arrive $0xFFFF;
	s2 =	simm.s32 @!p0 $0x1C05  }
0xe9: {  	[timem:s3], [sflag:s2] =	dma.local @!p0 [hbm:s0], s1  }
0xea: {  	s0 =	simm.s32 @!p0 $0x5  }
0xeb: {  	_ =	swait.ge @!p0 [sflag:s0], s1  }
0xec: {  	s1 =	ssub.s32 @!p0 $0x0, s1;
	[sflag:s0] =	ssyncset.done @!p0 $0x0  }
0xed: {  	[sflag:s0] =	ssyncadd.s32 @!p0 s1  }
0xee: {  	[bflag:$0x3] =	sbarrier.arrive $0xFFFF  }
0xef: {  	_ =	shalt  }

</sc_bundles>
